<compile_context>
chip_gen: v7x
topology: tpu7x:2x2x1
jax: 0.10.2.dev20260603
libtpu: 0.0.44.dev20260713+nightly
codegen_flags: <defaults>
</compile_context>

<pallas_src>
import functools

import jax
import jax.numpy as jnp
from jax import lax
from jax.experimental import pallas as pl
from jax.experimental.pallas import tpu as pltpu
from jax.experimental.pallas import tpu_sc as plsc

N = 10000
D = 256
DH = 128
E = 160000
NCORE = 2
NSUB = 16
EPT = E // NSUB
K = 128
NCHUNK = 79
EPTP = NCHUNK * K
NP = 10240
DUMMY = NP - 4
RPT = NP // NSUB
RCHUNK = 128
NRC = RPT // RCHUNK
ROWB = 1000


def _mm_body(x_ref, w_ref, e_ref, o_ref, p_ref):
    o_ref[0] = lax.dot_general(
        x_ref[...], w_ref[...], (((1,), (1,)), ((), ())),
        preferred_element_type=jnp.float32)
    row = jnp.concatenate(
        [e_ref[0, 0, 0], jnp.full((EPTP - EPT,), DUMMY, jnp.int32)])
    col = jnp.concatenate(
        [e_ref[1, 0, 0], jnp.zeros((EPTP - EPT,), jnp.int32)])
    hi = row << 15
    p_ref[0, 0] = col | hi
    p_ref[0, 1] = (col + N) | hi


def _xw_split(x, W, e):
    return pl.pallas_call(
        _mm_body,
        grid=(NCORE, N // ROWB),
        in_specs=[pl.BlockSpec((ROWB, D), lambda c, r: (r, 0)),
                  pl.BlockSpec((DH, D), lambda c, r: (c, 0)),
                  pl.BlockSpec((2, 1, 1, EPT),
                               lambda c, r: (0, jnp.minimum(c * 8 + r, 15),
                                             0, 0))],
        out_specs=[pl.BlockSpec((1, ROWB, DH), lambda c, r: (c, r, 0)),
                   pl.BlockSpec((1, 2, EPTP),
                                lambda c, r: (jnp.minimum(c * 8 + r, 15), 0, 0))],
        out_shape=[jax.ShapeDtypeStruct((NCORE, N, DH), jnp.float32),
                   jax.ShapeDtypeStruct((NSUB, 2, EPTP), jnp.int32)],
    )(x, W, e)


def _sc_scatter(xw_flat, packed_idx):
    mesh = plsc.VectorSubcoreMesh(core_axis_name="c", subcore_axis_name="s")

    @functools.partial(
        pl.kernel,
        out_type=[jax.ShapeDtypeStruct((NCORE, NP, DH), jnp.float32),
                  jax.ShapeDtypeStruct((NCORE, NP), jnp.float32)],
        mesh=mesh,
        scratch_types=[
            pltpu.VMEM_SHARED((NP, DH), jnp.float32),
            pltpu.VMEM_SHARED((NP,), jnp.float32),
            pltpu.VMEM((NCHUNK, K), jnp.int32),
            pltpu.VMEM((K, DH), jnp.float32),
            pltpu.VMEM((K, DH), jnp.float32),
            pltpu.VMEM((K,), jnp.int32),
            pltpu.VMEM((K,), jnp.int32),
            pltpu.VMEM((K,), jnp.int32),
            pltpu.VMEM((K,), jnp.int32),
            pltpu.VMEM((K,), jnp.float32),
            pltpu.SemaphoreType.DMA,
            pltpu.SemaphoreType.DMA,
        ],
    )
    def k(xw_hbm, pidx_hbm, out_hbm, deg_hbm, acc, dacc, pbuf,
          gbufA, gbufB, cbA, rbA, cbB, rbB, obuf, semA, semB):
        c = lax.axis_index("c")
        s = lax.axis_index("s")
        r0 = s * RPT
        is0 = c == 0

        pltpu.sync_copy(pidx_hbm.at[s, c], pbuf)

        def unpack(j, cb, rb):
            for t in range(K // 16):
                sl = pl.ds(t * 16, 16)
                p = pbuf[j, sl]
                cb[sl] = p & 0x7FFF
                rb[sl] = lax.shift_right_logical(p, 15)

        unpack(0, cbA, rbA)
        pltpu.make_async_copy(xw_hbm.at[cbA], gbufA, semA).start()

        z16 = jnp.zeros((16,), jnp.float32)

        def zfill(j, carry):
            gbufB[j // 8, pl.ds((j % 8) * 16, 16)] = z16
            return carry

        lax.fori_loop(0, K * 8, zfill, 0)
        for j in range(K // 16):
            obuf[pl.ds(j * 16, 16)] = z16
        for t in range(NRC):
            pltpu.sync_copy(gbufB, acc.at[pl.ds(r0 + t * RCHUNK, RCHUNK)])
        for t in range(NRC):
            pltpu.sync_copy(obuf, dacc.at[pl.ds(r0 + t * RCHUNK, RCHUNK)])
        o16 = jnp.ones((16,), jnp.float32)
        for j in range(K // 16):
            obuf[pl.ds(j * 16, 16)] = o16
        unpack(1, cbB, rbB)
        plsc.subcore_barrier()

        def body(i, carry):
            j0 = 2 * i
            pltpu.make_async_copy(xw_hbm.at[cbB], gbufB, semB).start()
            pltpu.make_async_copy(xw_hbm.at[cbA], gbufA, semA).wait()
            pltpu.make_async_copy(gbufA, acc.at[rbA], semA).start(add=True)

            @pl.when(is0)
            def _():
                pltpu.sync_copy(obuf, dacc.at[rbA], add=True)

            pltpu.make_async_copy(gbufA, acc.at[rbA], semA).wait()
            unpack(j0 + 2, cbA, rbA)
            pltpu.make_async_copy(xw_hbm.at[cbA], gbufA, semA).start()
            pltpu.make_async_copy(xw_hbm.at[cbB], gbufB, semB).wait()
            pltpu.make_async_copy(gbufB, acc.at[rbB], semB).start(add=True)

            @pl.when(jnp.logical_not(is0))
            def _():
                pltpu.sync_copy(obuf, dacc.at[rbB], add=True)

            pltpu.make_async_copy(gbufB, acc.at[rbB], semB).wait()

            @pl.when(j0 + 3 < NCHUNK)
            def _():
                unpack(j0 + 3, cbB, rbB)

            return carry

        lax.fori_loop(0, (NCHUNK - 1) // 2, body, 0)
        pltpu.make_async_copy(xw_hbm.at[cbA], gbufA, semA).wait()
        pltpu.sync_copy(gbufA, acc.at[rbA], add=True)

        @pl.when(is0)
        def _():
            pltpu.sync_copy(obuf, dacc.at[rbA], add=True)

        plsc.subcore_barrier()
        for t in range(NRC):
            sl = pl.ds(r0 + t * RCHUNK, RCHUNK)
            pltpu.sync_copy(acc.at[sl], out_hbm.at[c].at[sl])

        pltpu.sync_copy(dacc.at[pl.ds(r0, RPT)],
                        deg_hbm.at[c].at[pl.ds(r0, RPT)])

    return k(xw_flat, packed_idx)


def _finish_body(a_ref, d0_ref, d1_ref, b_ref, o_ref):
    d = jnp.maximum(d0_ref[...] + d1_ref[...], 1.0)
    o_ref[:, :DH] = a_ref[0] / d + b_ref[0, :DH]
    o_ref[:, DH:] = a_ref[1] / d + b_ref[0, DH:]


def _finish(acc2, dega, degb, b2):
    return pl.pallas_call(
        _finish_body,
        grid=(N // ROWB,),
        in_specs=[pl.BlockSpec((NCORE, ROWB, DH), lambda r: (0, r, 0)),
                  pl.BlockSpec((ROWB, 1), lambda r: (r, 0)),
                  pl.BlockSpec((ROWB, 1), lambda r: (r, 0)),
                  pl.BlockSpec((1, D), lambda r: (0, 0))],
        out_specs=pl.BlockSpec((ROWB, D), lambda r: (r, 0)),
        out_shape=jax.ShapeDtypeStruct((N, D), jnp.float32),
    )(acc2, dega, degb, b2)


def kernel(x, edge_index, W, b):
    e4 = edge_index.astype(jnp.int32).reshape(2, NSUB, 1, EPT)
    xw, packed = _xw_split(x, W, e4)
    xw_flat = xw.reshape(NCORE * N, DH)
    acc, deg = _sc_scatter(
        xw_flat, packed.reshape(NSUB, NCORE, NCHUNK, K))
    return _finish(acc, deg[0, :N].reshape(N, 1), deg[1, :N].reshape(N, 1),
                   b.reshape(1, D))

# --- scband reference (transcript-rebuilt; emitter-appended) ---
"""Pipeline reference for scband-abstract-gcn-20873541058954 (READ-ONLY COPY).

The authoritative reference and input builder live on the scoring server;
editing this copy changes nothing except your own understanding.
"""

import jax, jax.numpy as jnp
import numpy as np

N = 10000
E = 160000
D_IN = 256
D_OUT = 256

def setup_inputs(seed: int = 0) -> dict:
    key = jax.random.key(seed)
    k1, k2, k3, k4 = jax.random.split(key, 4)
    x = jax.random.normal(k1, (N, D_IN), dtype=jnp.float32)
    edge_index = jax.random.randint(k2, (2, E), 0, N, dtype=jnp.int64)
    # nn.Linear(in_channels, out_channels): W [out, in], b [out]
    bound = 1.0 / np.sqrt(D_IN)
    W = jax.random.uniform(k3, (D_OUT, D_IN), dtype=jnp.float32, minval=-bound, maxval=bound)
    b = jax.random.uniform(k4, (D_OUT,), dtype=jnp.float32, minval=-bound, maxval=bound)
    return {"x": x, "edge_index": edge_index, "W": W, "b": b}

def reference(x, edge_index, W, b):
    row = edge_index[0]
    col = edge_index[1]
    # out.index_add_(0, row, x[col])  -> scatter-add gathered neighbor features
    out = jnp.zeros_like(x).at[row].add(x[col])
    # deg = bincount(row, minlength=N); mean normalization with clamp(min=1)
    deg = jnp.bincount(row, minlength=x.shape[0], length=x.shape[0]).astype(jnp.float32)[:, None]
    out = out / jnp.clip(deg, 1.0, None)
    # linear layer
    return out @ W.T + b

if __name__ == "__main__":
    import jax
    _d = setup_inputs()
    print(jax.jit(kernel)(*tuple(_d.values())))

</pallas_src>

<mosaic_0001>
#map = affine_map<(d0, d1) -> (0, 0)>
#map1 = affine_map<(d0, d1) -> (0, 0, 0, 0)>
#map2 = affine_map<(d0, d1) -> (0, 0, 0)>
module attributes {stable_mosaic.version = 14 : i64} {
  func.func @k(%arg0: i32, %arg1: i32, %arg2: memref<20000x128xf32, #tpu.memory_space<hbm>>, %arg3: memref<16x2x79x128xi32, #tpu.memory_space<hbm>>, %arg4: memref<2x10240x128xf32, #tpu.memory_space<hbm>>, %arg5: memref<2x10240xf32, #tpu.memory_space<hbm>>, %arg6: memref<10240x128xf32, #tpu.memory_space<vmem_shared>>, %arg7: memref<10240xf32, #tpu.memory_space<vmem_shared>>, %arg8: memref<79x128xi32, #tpu.memory_space<vmem>>, %arg9: memref<128x128xf32, #tpu.memory_space<vmem>>, %arg10: memref<128x128xf32, #tpu.memory_space<vmem>>, %arg11: memref<128xi32, #tpu.memory_space<vmem>>, %arg12: memref<128xi32, #tpu.memory_space<vmem>>, %arg13: memref<128xi32, #tpu.memory_space<vmem>>, %arg14: memref<128xi32, #tpu.memory_space<vmem>>, %arg15: memref<128xf32, #tpu.memory_space<vmem>>, %arg16: memref<!tpu.dma_semaphore, #tpu.memory_space<semaphore_mem>>, %arg17: memref<!tpu.dma_semaphore, #tpu.memory_space<semaphore_mem>>) attributes {dimension_semantics = [#tpu.dimension_semantics<core_parallel>, #tpu.dimension_semantics<subcore_parallel>], iteration_bounds = array<i64: 2, 16>, scalar_prefetch = 0 : i64, scratch_operands = 12 : i64, tpu.core_type = #tpu.core_type<sc_vector_subcore>, window_params = [{transform_indices = #map}, {transform_indices = #map1}, {transform_indices = #map2}, {transform_indices = #map}]} {
    %mul3A = arith.constant 640 : i32
    %mul3A_0 = arith.muli %arg1, %mul3A : i32
    %eq3A = arith.constant 0 : i32
    %eq3A_1 = arith.cmpi eq, %arg0, %eq3A : i32
    "tpu.region"() ({
      %run_scoped3A = tpu.sem_alloc : memref<!tpu.dma_semaphore, #tpu.memory_space<semaphore_mem>>
      %dma_start3A_415 = arith.constant 0 : i32
      %dma_start3A_416 = arith.constant 0 : i32
      %dma_start3A_417 = tpu.memref_slice %arg3[%arg1, %arg0, %dma_start3A_415, %dma_start3A_416] : memref<16x2x79x128xi32, #tpu.memory_space<hbm>> -> memref<1x1x79x128xi32, #tpu.memory_space<hbm>>
      %dma_start3A_418 = tpu.memref_squeeze %dma_start3A_417 : memref<1x1x79x128xi32, #tpu.memory_space<hbm>> -> memref<79x128xi32, #tpu.memory_space<hbm>>
      %dma_start3A_419 = arith.constant 0 : i32
      %dma_start3A_420 = arith.constant 0 : i32
      %dma_start3A_421 = tpu.memref_slice %arg3[%arg1, %arg0, %dma_start3A_419, %dma_start3A_420] : memref<16x2x79x128xi32, #tpu.memory_space<hbm>> -> memref<1x1x79x128xi32, #tpu.memory_space<hbm>>
      %dma_start3A_422 = tpu.memref_squeeze %dma_start3A_421 : memref<1x1x79x128xi32, #tpu.memory_space<hbm>> -> memref<79x128xi32, #tpu.memory_space<hbm>>
      tpu.enqueue_dma source(%dma_start3A_422 : memref<79x128xi32, #tpu.memory_space<hbm>>) target(%arg8 : memref<79x128xi32, #tpu.memory_space<vmem>>) target_semaphore(%run_scoped3A : memref<!tpu.dma_semaphore, #tpu.memory_space<semaphore_mem>>)
      %dma_wait3A_423 = arith.constant 0 : i32
      %dma_wait3A_424 = arith.constant 0 : i32
      %dma_wait3A_425 = tpu.memref_slice %arg3[%arg1, %arg0, %dma_wait3A_423, %dma_wait3A_424] : memref<16x2x79x128xi32, #tpu.memory_space<hbm>> -> memref<1x1x79x128xi32, #tpu.memory_space<hbm>>
      %dma_wait3A_426 = tpu.memref_squeeze %dma_wait3A_425 : memref<1x1x79x128xi32, #tpu.memory_space<hbm>> -> memref<79x128xi32, #tpu.memory_space<hbm>>
      %dma_wait3A_427 = arith.constant 0 : i32
      %dma_wait3A_428 = arith.constant 0 : i32
      %dma_wait3A_429 = tpu.memref_slice %arg3[%arg1, %arg0, %dma_wait3A_427, %dma_wait3A_428] : memref<16x2x79x128xi32, #tpu.memory_space<hbm>> -> memref<1x1x79x128xi32, #tpu.memory_space<hbm>>
      %dma_wait3A_430 = tpu.memref_squeeze %dma_wait3A_429 : memref<1x1x79x128xi32, #tpu.memory_space<hbm>> -> memref<79x128xi32, #tpu.memory_space<hbm>>
      tpu.wait_dma2 semaphore(%run_scoped3A : memref<!tpu.dma_semaphore, #tpu.memory_space<semaphore_mem>>) src(%dma_wait3A_430 : memref<79x128xi32, #tpu.memory_space<hbm>>) dst(%arg8 : memref<79x128xi32, #tpu.memory_space<vmem>>)
      tpu.yield
    }) : () -> ()
    %get3A = arith.constant 0 : i32
    %get3A_2 = arith.index_cast %get3A : i32 to index
    %get3A_3 = arith.constant 0 : index
    %get3A_4 = tpu.vector_load %arg8[%get3A_2, %get3A_3] {strides = array<i32>} : memref<79x128xi32, #tpu.memory_space<vmem>>, vector<1x16xi32>,
    %get3A_5 = vector.shape_cast %get3A_4 : vector<1x16xi32> to vector<16xi32>
    %and3A = arith.constant 32767 : i32
    %and3A_6 = vector.broadcast %and3A : i32 to vector<16xi32>
    %and3A_7 = arith.andi %get3A_5, %and3A_6 : vector<16xi32>
    %swap3A = arith.constant 0 : index
    %swap3A_8 = tpu.vector_load %arg11[%swap3A] {strides = array<i32>} : memref<128xi32, #tpu.memory_space<vmem>>, vector<16xi32>,
    %swap3A_9 = vector.shape_cast %swap3A_8 : vector<16xi32> to vector<16xi32>
    %swap3A_10 = vector.shape_cast %and3A_7 : vector<16xi32> to vector<16xi32>
    tpu.vector_store %arg11[%swap3A], %swap3A_10 {strides = array<i32>} : memref<128xi32, #tpu.memory_space<vmem>>, vector<16xi32>,
    %shift_right_logical3A = arith.constant 15 : i32
    %shift_right_logical3A_11 = vector.broadcast %shift_right_logical3A : i32 to vector<16xi32>
    %shift_right_logical3A_12 = arith.shrui %get3A_5, %shift_right_logical3A_11 : vector<16xi32>
    %swap3A_13 = arith.constant 0 : index
    %swap3A_14 = tpu.vector_load %arg12[%swap3A_13] {strides = array<i32>} : memref<128xi32, #tpu.memory_space<vmem>>, vector<16xi32>,
    %swap3A_15 = vector.shape_cast %swap3A_14 : vector<16xi32> to vector<16xi32>
    %swap3A_16 = vector.shape_cast %shift_right_logical3A_12 : vector<16xi32> to vector<16xi32>
    tpu.vector_store %arg12[%swap3A_13], %swap3A_16 {strides = array<i32>} : memref<128xi32, #tpu.memory_space<vmem>>, vector<16xi32>,
    %get3A_17 = arith.constant 0 : i32
    %get3A_18 = arith.index_cast %get3A_17 : i32 to index
    %get3A_19 = arith.constant 16 : index
    %get3A_20 = tpu.vector_load %arg8[%get3A_18, %get3A_19] {strides = array<i32>} : memref<79x128xi32, #tpu.memory_space<vmem>>, vector<1x16xi32>,
    %get3A_21 = vector.shape_cast %get3A_20 : vector<1x16xi32> to vector<16xi32>
    %and3A_22 = arith.constant 32767 : i32
    %and3A_23 = vector.broadcast %and3A_22 : i32 to vector<16xi32>
    %and3A_24 = arith.andi %get3A_21, %and3A_23 : vector<16xi32>
    %swap3A_25 = arith.constant 16 : index
    %swap3A_26 = tpu.vector_load %arg11[%swap3A_25] {strides = array<i32>} : memref<128xi32, #tpu.memory_space<vmem>>, vector<16xi32>,
    %swap3A_27 = vector.shape_cast %swap3A_26 : vector<16xi32> to vector<16xi32>
    %swap3A_28 = vector.shape_cast %and3A_24 : vector<16xi32> to vector<16xi32>
    tpu.vector_store %arg11[%swap3A_25], %swap3A_28 {strides = array<i32>} : memref<128xi32, #tpu.memory_space<vmem>>, vector<16xi32>,
    %shift_right_logical3A_29 = arith.constant 15 : i32
    %shift_right_logical3A_30 = vector.broadcast %shift_right_logical3A_29 : i32 to vector<16xi32>
    %shift_right_logical3A_31 = arith.shrui %get3A_21, %shift_right_logical3A_30 : vector<16xi32>
    %swap3A_32 = arith.constant 16 : index
    %swap3A_33 = tpu.vector_load %arg12[%swap3A_32] {strides = array<i32>} : memref<128xi32, #tpu.memory_space<vmem>>, vector<16xi32>,
    %swap3A_34 = vector.shape_cast %swap3A_33 : vector<16xi32> to vector<16xi32>
    %swap3A_35 = vector.shape_cast %shift_right_logical3A_31 : vector<16xi32> to vector<16xi32>
    tpu.vector_store %arg12[%swap3A_32], %swap3A_35 {strides = array<i32>} : memref<128xi32, #tpu.memory_space<vmem>>, vector<16xi32>,
    %get3A_36 = arith.constant 0 : i32
    %get3A_37 = arith.index_cast %get3A_36 : i32 to index
    %get3A_38 = arith.constant 32 : index
    %get3A_39 = tpu.vector_load %arg8[%get3A_37, %get3A_38] {strides = array<i32>} : memref<79x128xi32, #tpu.memory_space<vmem>>, vector<1x16xi32>,
    %get3A_40 = vector.shape_cast %get3A_39 : vector<1x16xi32> to vector<16xi32>
    %and3A_41 = arith.constant 32767 : i32
    %and3A_42 = vector.broadcast %and3A_41 : i32 to vector<16xi32>
    %and3A_43 = arith.andi %get3A_40, %and3A_42 : vector<16xi32>
    %swap3A_44 = arith.constant 32 : index
    %swap3A_45 = tpu.vector_load %arg11[%swap3A_44] {strides = array<i32>} : memref<128xi32, #tpu.memory_space<vmem>>, vector<16xi32>,
    %swap3A_46 = vector.shape_cast %swap3A_45 : vector<16xi32> to vector<16xi32>
    %swap3A_47 = vector.shape_cast %and3A_43 : vector<16xi32> to vector<16xi32>
    tpu.vector_store %arg11[%swap3A_44], %swap3A_47 {strides = array<i32>} : memref<128xi32, #tpu.memory_space<vmem>>, vector<16xi32>,
    %shift_right_logical3A_48 = arith.constant 15 : i32
    %shift_right_logical3A_49 = vector.broadcast %shift_right_logical3A_48 : i32 to vector<16xi32>
    %shift_right_logical3A_50 = arith.shrui %get3A_40, %shift_right_logical3A_49 : vector<16xi32>
    %swap3A_51 = arith.constant 32 : index
    %swap3A_52 = tpu.vector_load %arg12[%swap3A_51] {strides = array<i32>} : memref<128xi32, #tpu.memory_space<vmem>>, vector<16xi32>,
    %swap3A_53 = vector.shape_cast %swap3A_52 : vector<16xi32> to vector<16xi32>
    %swap3A_54 = vector.shape_cast %shift_right_logical3A_50 : vector<16xi32> to vector<16xi32>
    tpu.vector_store %arg12[%swap3A_51], %swap3A_54 {strides = array<i32>} : memref<128xi32, #tpu.memory_space<vmem>>, vector<16xi32>,
    %get3A_55 = arith.constant 0 : i32
    %get3A_56 = arith.index_cast %get3A_55 : i32 to index
    %get3A_57 = arith.constant 48 : index
    %get3A_58 = tpu.vector_load %arg8[%get3A_56, %get3A_57] {strides = array<i32>} : memref<79x128xi32, #tpu.memory_space<vmem>>, vector<1x16xi32>,
    %get3A_59 = vector.shape_cast %get3A_58 : vector<1x16xi32> to vector<16xi32>
    %and3A_60 = arith.constant 32767 : i32
    %and3A_61 = vector.broadcast %and3A_60 : i32 to vector<16xi32>
    %and3A_62 = arith.andi %get3A_59, %and3A_61 : vector<16xi32>
    %swap3A_63 = arith.constant 48 : index
    %swap3A_64 = tpu.vector_load %arg11[%swap3A_63] {strides = array<i32>} : memref<128xi32, #tpu.memory_space<vmem>>, vector<16xi32>,
    %swap3A_65 = vector.shape_cast %swap3A_64 : vector<16xi32> to vector<16xi32>
    %swap3A_66 = vector.shape_cast %and3A_62 : vector<16xi32> to vector<16xi32>
    tpu.vector_store %arg11[%swap3A_63], %swap3A_66 {strides = array<i32>} : memref<128xi32, #tpu.memory_space<vmem>>, vector<16xi32>,
    %shift_right_logical3A_67 = arith.constant 15 : i32
    %shift_right_logical3A_68 = vector.broadcast %shift_right_logical3A_67 : i32 to vector<16xi32>
    %shift_right_logical3A_69 = arith.shrui %get3A_59, %shift_right_logical3A_68 : vector<16xi32>
    %swap3A_70 = arith.constant 48 : index
    %swap3A_71 = tpu.vector_load %arg12[%swap3A_70] {strides = array<i32>} : memref<128xi32, #tpu.memory_space<vmem>>, vector<16xi32>,
    %swap3A_72 = vector.shape_cast %swap3A_71 : vector<16xi32> to vector<16xi32>
    %swap3A_73 = vector.shape_cast %shift_right_logical3A_69 : vector<16xi32> to vector<16xi32>
    tpu.vector_store %arg12[%swap3A_70], %swap3A_73 {strides = array<i32>} : memref<128xi32, #tpu.memory_space<vmem>>, vector<16xi32>,
    %get3A_74 = arith.constant 0 : i32
    %get3A_75 = arith.index_cast %get3A_74 : i32 to index
    %get3A_76 = arith.constant 64 : index
    %get3A_77 = tpu.vector_load %arg8[%get3A_75, %get3A_76] {strides = array<i32>} : memref<79x128xi32, #tpu.memory_space<vmem>>, vector<1x16xi32>,
    %get3A_78 = vector.shape_cast %get3A_77 : vector<1x16xi32> to vector<16xi32>
    %and3A_79 = arith.constant 32767 : i32
    %and3A_80 = vector.broadcast %and3A_79 : i32 to vector<16xi32>
    %and3A_81 = arith.andi %get3A_78, %and3A_80 : vector<16xi32>
    %swap3A_82 = arith.constant 64 : index
    %swap3A_83 = tpu.vector_load %arg11[%swap3A_82] {strides = array<i32>} : memref<128xi32, #tpu.memory_space<vmem>>, vector<16xi32>,
    %swap3A_84 = vector.shape_cast %swap3A_83 : vector<16xi32> to vector<16xi32>
    %swap3A_85 = vector.shape_cast %and3A_81 : vector<16xi32> to vector<16xi32>
    tpu.vector_store %arg11[%swap3A_82], %swap3A_85 {strides = array<i32>} : memref<128xi32, #tpu.memory_space<vmem>>, vector<16xi32>,
    %shift_right_logical3A_86 = arith.constant 15 : i32
    %shift_right_logical3A_87 = vector.broadcast %shift_right_logical3A_86 : i32 to vector<16xi32>
    %shift_right_logical3A_88 = arith.shrui %get3A_78, %shift_right_logical3A_87 : vector<16xi32>
    %swap3A_89 = arith.constant 64 : index
    %swap3A_90 = tpu.vector_load %arg12[%swap3A_89] {strides = array<i32>} : memref<128xi32, #tpu.memory_space<vmem>>, vector<16xi32>,
    %swap3A_91 = vector.shape_cast %swap3A_90 : vector<16xi32> to vector<16xi32>
    %swap3A_92 = vector.shape_cast %shift_right_logical3A_88 : vector<16xi32> to vector<16xi32>
    tpu.vector_store %arg12[%swap3A_89], %swap3A_92 {strides = array<i32>} : memref<128xi32, #tpu.memory_space<vmem>>, vector<16xi32>,
    %get3A_93 = arith.constant 0 : i32
    %get3A_94 = arith.index_cast %get3A_93 : i32 to index
    %get3A_95 = arith.constant 80 : index
    %get3A_96 = tpu.vector_load %arg8[%get3A_94, %get3A_95] {strides = array<i32>} : memref<79x128xi32, #tpu.memory_space<vmem>>, vector<1x16xi32>,
    %get3A_97 = vector.shape_cast %get3A_96 : vector<1x16xi32> to vector<16xi32>
    %and3A_98 = arith.constant 32767 : i32
    %and3A_99 = vector.broadcast %and3A_98 : i32 to vector<16xi32>
    %and3A_100 = arith.andi %get3A_97, %and3A_99 : vector<16xi32>
    %swap3A_101 = arith.constant 80 : index
    %swap3A_102 = tpu.vector_load %arg11[%swap3A_101] {strides = array<i32>} : memref<128xi32, #tpu.memory_space<vmem>>, vector<16xi32>,
    %swap3A_103 = vector.shape_cast %swap3A_102 : vector<16xi32> to vector<16xi32>
    %swap3A_104 = vector.shape_cast %and3A_100 : vector<16xi32> to vector<16xi32>
    tpu.vector_store %arg11[%swap3A_101], %swap3A_104 {strides = array<i32>} : memref<128xi32, #tpu.memory_space<vmem>>, vector<16xi32>,
    %shift_right_logical3A_105 = arith.constant 15 : i32
    %shift_right_logical3A_106 = vector.broadcast %shift_right_logical3A_105 : i32 to vector<16xi32>
    %shift_right_logical3A_107 = arith.shrui %get3A_97, %shift_right_logical3A_106 : vector<16xi32>
    %swap3A_108 = arith.constant 80 : index
    %swap3A_109 = tpu.vector_load %arg12[%swap3A_108] {strides = array<i32>} : memref<128xi32, #tpu.memory_space<vmem>>, vector<16xi32>,
    %swap3A_110 = vector.shape_cast %swap3A_109 : vector<16xi32> to vector<16xi32>
    %swap3A_111 = vector.shape_cast %shift_right_logical3A_107 : vector<16xi32> to vector<16xi32>
    tpu.vector_store %arg12[%swap3A_108], %swap3A_111 {strides = array<i32>} : memref<128xi32, #tpu.memory_space<vmem>>, vector<16xi32>,
    %get3A_112 = arith.constant 0 : i32
    %get3A_113 = arith.index_cast %get3A_112 : i32 to index
    %get3A_114 = arith.constant 96 : index
    %get3A_115 = tpu.vector_load %arg8[%get3A_113, %get3A_114] {strides = array<i32>} : memref<79x128xi32, #tpu.memory_space<vmem>>, vector<1x16xi32>,
    %get3A_116 = vector.shape_cast %get3A_115 : vector<1x16xi32> to vector<16xi32>
    %and3A_117 = arith.constant 32767 : i32
    %and3A_118 = vector.broadcast %and3A_117 : i32 to vector<16xi32>
    %and3A_119 = arith.andi %get3A_116, %and3A_118 : vector<16xi32>
    %swap3A_120 = arith.constant 96 : index
    %swap3A_121 = tpu.vector_load %arg11[%swap3A_120] {strides = array<i32>} : memref<128xi32, #tpu.memory_space<vmem>>, vector<16xi32>,
    %swap3A_122 = vector.shape_cast %swap3A_121 : vector<16xi32> to vector<16xi32>
    %swap3A_123 = vector.shape_cast %and3A_119 : vector<16xi32> to vector<16xi32>
    tpu.vector_store %arg11[%swap3A_120], %swap3A_123 {strides = array<i32>} : memref<128xi32, #tpu.memory_space<vmem>>, vector<16xi32>,
    %shift_right_logical3A_124 = arith.constant 15 : i32
    %shift_right_logical3A_125 = vector.broadcast %shift_right_logical3A_124 : i32 to vector<16xi32>
    %shift_right_logical3A_126 = arith.shrui %get3A_116, %shift_right_logical3A_125 : vector<16xi32>
    %swap3A_127 = arith.constant 96 : index
    %swap3A_128 = tpu.vector_load %arg12[%swap3A_127] {strides = array<i32>} : memref<128xi32, #tpu.memory_space<vmem>>, vector<16xi32>,
    %swap3A_129 = vector.shape_cast %swap3A_128 : vector<16xi32> to vector<16xi32>
    %swap3A_130 = vector.shape_cast %shift_right_logical3A_126 : vector<16xi32> to vector<16xi32>
    tpu.vector_store %arg12[%swap3A_127], %swap3A_130 {strides = array<i32>} : memref<128xi32, #tpu.memory_space<vmem>>, vector<16xi32>,
    %get3A_131 = arith.constant 0 : i32
    %get3A_132 = arith.index_cast %get3A_131 : i32 to index
    %get3A_133 = arith.constant 112 : index
    %get3A_134 = tpu.vector_load %arg8[%get3A_132, %get3A_133] {strides = array<i32>} : memref<79x128xi32, #tpu.memory_space<vmem>>, vector<1x16xi32>,
    %get3A_135 = vector.shape_cast %get3A_134 : vector<1x16xi32> to vector<16xi32>
    %and3A_136 = arith.constant 32767 : i32
    %and3A_137 = vector.broadcast %and3A_136 : i32 to vector<16xi32>
    %and3A_138 = arith.andi %get3A_135, %and3A_137 : vector<16xi32>
    %swap3A_139 = arith.constant 112 : index
    %swap3A_140 = tpu.vector_load %arg11[%swap3A_139] {strides = array<i32>} : memref<128xi32, #tpu.memory_space<vmem>>, vector<16xi32>,
    %swap3A_141 = vector.shape_cast %swap3A_140 : vector<16xi32> to vector<16xi32>
    %swap3A_142 = vector.shape_cast %and3A_138 : vector<16xi32> to vector<16xi32>
    tpu.vector_store %arg11[%swap3A_139], %swap3A_142 {strides = array<i32>} : memref<128xi32, #tpu.memory_space<vmem>>, vector<16xi32>,
    %shift_right_logical3A_143 = arith.constant 15 : i32
    %shift_right_logical3A_144 = vector.broadcast %shift_right_logical3A_143 : i32 to vector<16xi32>
    %shift_right_logical3A_145 = arith.shrui %get3A_135, %shift_right_logical3A_144 : vector<16xi32>
    %swap3A_146 = arith.constant 112 : index
    %swap3A_147 = tpu.vector_load %arg12[%swap3A_146] {strides = array<i32>} : memref<128xi32, #tpu.memory_space<vmem>>, vector<16xi32>,
    %swap3A_148 = vector.shape_cast %swap3A_147 : vector<16xi32> to vector<16xi32>
    %swap3A_149 = vector.shape_cast %shift_right_logical3A_145 : vector<16xi32> to vector<16xi32>
    tpu.vector_store %arg12[%swap3A_146], %swap3A_149 {strides = array<i32>} : memref<128xi32, #tpu.memory_space<vmem>>, vector<16xi32>,
    %dma_start3A = arith.constant 0 : i32
    %dma_start3A_150 = arith.constant 0 : i32
    %dma_start3A_151 = tpu.memref_slice %arg2[%dma_start3A, %dma_start3A_150] : memref<20000x128xf32, #tpu.memory_space<hbm>> -> memref<20000x128xf32, #tpu.memory_space<hbm>>
    tpu.enqueue_indirect_dma source(%dma_start3A_151 : memref<20000x128xf32, #tpu.memory_space<hbm>>) target(%arg9 : memref<128x128xf32, #tpu.memory_space<vmem>>) offsets(%arg11 : memref<128xi32, #tpu.memory_space<vmem>>) semaphore(%arg16 : memref<!tpu.dma_semaphore, #tpu.memory_space<semaphore_mem>>)
    %broadcast_in_dim3A = arith.constant 0.000000e+00 : f32
    %broadcast_in_dim3A_152 = vector.broadcast %broadcast_in_dim3A : f32 to vector<16xf32>
    %scan3A = arith.constant 0 : i32
    %scan3A_153 = arith.constant 0 : i32
    %scan3A_154 = arith.constant 1024 : i32
    %scan3A_155 = arith.addi %scan3A_153, %scan3A_154 : i32
    %scan3A_156 = arith.constant 1 : i32
    scf.for %scan3A_415 = %scan3A_153 to %scan3A_155 step %scan3A_156  : i32 {
      %jit3A = arith.constant 8 : i32
      %div3A = arith.divsi %scan3A_415, %jit3A : i32
      %sign3A = arith.constant 0 : i32
      %sign3A_416 = arith.cmpi sgt, %scan3A_415, %sign3A : i32
      %sign3A_417 = arith.extui %sign3A_416 : i1 to i32
      %sign3A_418 = arith.constant 0 : i32
      %sign3A_419 = arith.cmpi slt, %scan3A_415, %sign3A_418 : i32
      %sign3A_420 = arith.extui %sign3A_419 : i1 to i32
      %sign3A_421 = arith.subi %sign3A_417, %sign3A_420 : i32
      %sign3A_422 = arith.constant 0 : i32
      %sign3A_423 = arith.cmpi sgt, %jit3A, %sign3A_422 : i32
      %sign3A_424 = arith.extui %sign3A_423 : i1 to i32
      %sign3A_425 = arith.constant 0 : i32
      %sign3A_426 = arith.cmpi slt, %jit3A, %sign3A_425 : i32
      %sign3A_427 = arith.extui %sign3A_426 : i1 to i32
      %sign3A_428 = arith.subi %sign3A_424, %sign3A_427 : i32
      %ne3A = arith.cmpi ne, %sign3A_421, %sign3A_428 : i32
      %rem3A = arith.remsi %scan3A_415, %jit3A : i32
      %ne3A_429 = arith.constant 0 : i32
      %ne3A_430 = arith.cmpi ne, %rem3A, %ne3A_429 : i32
      %and3A_431 = arith.andi %ne3A, %ne3A_430 : i1
      %sub3A = arith.constant 1 : i32
      %sub3A_432 = arith.subi %div3A, %sub3A : i32
      %select_n3A = arith.select %and3A_431, %sub3A_432, %div3A : i32
      %jit3A_433 = arith.constant 8 : i32
      %eq3A_434 = arith.constant 0 : i32
      %eq3A_435 = arith.cmpi eq, %jit3A_433, %eq3A_434 : i32
      %jit3A_436 = arith.constant 1 : i32
      %select_n3A_437 = arith.select %eq3A_435, %jit3A_436, %jit3A_433 : i32
      %rem3A_438 = arith.remsi %scan3A_415, %select_n3A_437 : i32
      %ne3A_439 = arith.constant 0 : i32
      %ne3A_440 = arith.cmpi ne, %rem3A_438, %ne3A_439 : i32
      %lt3A = arith.constant 0 : i32
      %lt3A_441 = arith.cmpi slt, %rem3A_438, %lt3A : i32
      %lt3A_442 = arith.constant 0 : i32
      %lt3A_443 = arith.cmpi slt, %select_n3A_437, %lt3A_442 : i32
      %ne3A_444 = arith.xori %lt3A_441, %lt3A_443 : i1
      %and3A_445 = arith.andi %ne3A_444, %ne3A_440 : i1
      %add3A_446 = arith.addi %rem3A_438, %select_n3A_437 : i32
      %select_n3A_447 = arith.select %and3A_445, %add3A_446, %rem3A_438 : i32
      %mul3A_448 = arith.constant 16 : i32
      %mul3A_449 = arith.muli %select_n3A_447, %mul3A_448 : i32
      %swap3A_450 = arith.index_cast %select_n3A : i32 to index
      %swap3A_451 = arith.index_cast %mul3A_449 : i32 to index
      %swap3A_452 = tpu.vector_load %arg10[%swap3A_450, %swap3A_451] {strides = array<i32>} : memref<128x128xf32, #tpu.memory_space<vmem>>, vector<1x16xf32>,
      %swap3A_453 = vector.shape_cast %swap3A_452 : vector<1x16xf32> to vector<16xf32>
      %swap3A_454 = vector.shape_cast %broadcast_in_dim3A_152 : vector<16xf32> to vector<1x16xf32>
      tpu.vector_store %arg10[%swap3A_450, %swap3A_451], %swap3A_454 {strides = array<i32>} : memref<128x128xf32, #tpu.memory_space<vmem>>, vector<1x16xf32>,
    }
    %scan3A_157 = arith.constant 1024 : i32
    %swap3A_158 = arith.constant 0 : index
    %swap3A_159 = tpu.vector_load %arg15[%swap3A_158] {strides = array<i32>} : memref<128xf32, #tpu.memory_space<vmem>>, vector<16xf32>,
    %swap3A_160 = vector.shape_cast %swap3A_159 : vector<16xf32> to vector<16xf32>
    %swap3A_161 = vector.shape_cast %broadcast_in_dim3A_152 : vector<16xf32> to vector<16xf32>
    tpu.vector_store %arg15[%swap3A_158], %swap3A_161 {strides = array<i32>} : memref<128xf32, #tpu.memory_space<vmem>>, vector<16xf32>,
    %swap3A_162 = arith.constant 16 : index
    %swap3A_163 = tpu.vector_load %arg15[%swap3A_162] {strides = array<i32>} : memref<128xf32, #tpu.memory_space<vmem>>, vector<16xf32>,
    %swap3A_164 = vector.shape_cast %swap3A_163 : vector<16xf32> to vector<16xf32>
    %swap3A_165 = vector.shape_cast %broadcast_in_dim3A_152 : vector<16xf32> to vector<16xf32>
    tpu.vector_store %arg15[%swap3A_162], %swap3A_165 {strides = array<i32>} : memref<128xf32, #tpu.memory_space<vmem>>, vector<16xf32>,
    %swap3A_166 = arith.constant 32 : index
    %swap3A_167 = tpu.vector_load %arg15[%swap3A_166] {strides = array<i32>} : memref<128xf32, #tpu.memory_space<vmem>>, vector<16xf32>,
    %swap3A_168 = vector.shape_cast %swap3A_167 : vector<16xf32> to vector<16xf32>
    %swap3A_169 = vector.shape_cast %broadcast_in_dim3A_152 : vector<16xf32> to vector<16xf32>
    tpu.vector_store %arg15[%swap3A_166], %swap3A_169 {strides = array<i32>} : memref<128xf32, #tpu.memory_space<vmem>>, vector<16xf32>,
    %swap3A_170 = arith.constant 48 : index
    %swap3A_171 = tpu.vector_load %arg15[%swap3A_170] {strides = array<i32>} : memref<128xf32, #tpu.memory_space<vmem>>, vector<16xf32>,
    %swap3A_172 = vector.shape_cast %swap3A_171 : vector<16xf32> to vector<16xf32>
    %swap3A_173 = vector.shape_cast %broadcast_in_dim3A_152 : vector<16xf32> to vector<16xf32>
    tpu.vector_store %arg15[%swap3A_170], %swap3A_173 {strides = array<i32>} : memref<128xf32, #tpu.memory_space<vmem>>, vector<16xf32>,
    %swap3A_174 = arith.constant 64 : index
    %swap3A_175 = tpu.vector_load %arg15[%swap3A_174] {strides = array<i32>} : memref<128xf32, #tpu.memory_space<vmem>>, vector<16xf32>,
    %swap3A_176 = vector.shape_cast %swap3A_175 : vector<16xf32> to vector<16xf32>
    %swap3A_177 = vector.shape_cast %broadcast_in_dim3A_152 : vector<16xf32> to vector<16xf32>
    tpu.vector_store %arg15[%swap3A_174], %swap3A_177 {strides = array<i32>} : memref<128xf32, #tpu.memory_space<vmem>>, vector<16xf32>,
    %swap3A_178 = arith.constant 80 : index
    %swap3A_179 = tpu.vector_load %arg15[%swap3A_178] {strides = array<i32>} : memref<128xf32, #tpu.memory_space<vmem>>, vector<16xf32>,
    %swap3A_180 = vector.shape_cast %swap3A_179 : vector<16xf32> to vector<16xf32>
    %swap3A_181 = vector.shape_cast %broadcast_in_dim3A_152 : vector<16xf32> to vector<16xf32>
    tpu.vector_store %arg15[%swap3A_178], %swap3A_181 {strides = array<i32>} : memref<128xf32, #tpu.memory_space<vmem>>, vector<16xf32>,
    %swap3A_182 = arith.constant 96 : index
    %swap3A_183 = tpu.vector_load %arg15[%swap3A_182] {strides = array<i32>} : memref<128xf32, #tpu.memory_space<vmem>>, vector<16xf32>,
    %swap3A_184 = vector.shape_cast %swap3A_183 : vector<16xf32> to vector<16xf32>
    %swap3A_185 = vector.shape_cast %broadcast_in_dim3A_152 : vector<16xf32> to vector<16xf32>
    tpu.vector_store %arg15[%swap3A_182], %swap3A_185 {strides = array<i32>} : memref<128xf32, #tpu.memory_space<vmem>>, vector<16xf32>,
    %swap3A_186 = arith.constant 112 : index
    %swap3A_187 = tpu.vector_load %arg15[%swap3A_186] {strides = array<i32>} : memref<128xf32, #tpu.memory_space<vmem>>, vector<16xf32>,
    %swap3A_188 = vector.shape_cast %swap3A_187 : vector<16xf32> to vector<16xf32>
    %swap3A_189 = vector.shape_cast %broadcast_in_dim3A_152 : vector<16xf32> to vector<16xf32>
    tpu.vector_store %arg15[%swap3A_186], %swap3A_189 {strides = array<i32>} : memref<128xf32, #tpu.memory_space<vmem>>, vector<16xf32>,
    %add3A = arith.constant 0 : i32
    %add3A_190 = arith.addi %mul3A_0, %add3A : i32
    "tpu.region"() ({
      %run_scoped3A = tpu.sem_alloc : memref<!tpu.dma_semaphore, #tpu.memory_space<semaphore_mem>>
      %dma_start3A_415 = arith.constant 0 : i32
      %dma_start3A_416 = tpu.memref_slice %arg6[%add3A_190, %dma_start3A_415] : memref<10240x128xf32, #tpu.memory_space<vmem_shared>> -> memref<128x128xf32, #tpu.memory_space<vmem_shared>>
      %dma_start3A_417 = arith.constant 0 : i32
      %dma_start3A_418 = tpu.memref_slice %arg6[%add3A_190, %dma_start3A_417] : memref<10240x128xf32, #tpu.memory_space<vmem_shared>> -> memref<128x128xf32, #tpu.memory_space<vmem_shared>>
      tpu.enqueue_dma source(%arg10 : memref<128x128xf32, #tpu.memory_space<vmem>>) target(%dma_start3A_418 : memref<128x128xf32, #tpu.memory_space<vmem_shared>>) target_semaphore(%run_scoped3A : memref<!tpu.dma_semaphore, #tpu.memory_space<semaphore_mem>>)
      %dma_wait3A_419 = arith.constant 0 : i32
      %dma_wait3A_420 = tpu.memref_slice %arg6[%add3A_190, %dma_wait3A_419] : memref<10240x128xf32, #tpu.memory_space<vmem_shared>> -> memref<128x128xf32, #tpu.memory_space<vmem_shared>>
      %dma_wait3A_421 = arith.constant 0 : i32
      %dma_wait3A_422 = tpu.memref_slice %arg6[%add3A_190, %dma_wait3A_421] : memref<10240x128xf32, #tpu.memory_space<vmem_shared>> -> memref<128x128xf32, #tpu.memory_space<vmem_shared>>
      tpu.wait_dma2 semaphore(%run_scoped3A : memref<!tpu.dma_semaphore, #tpu.memory_space<semaphore_mem>>) src(%arg10 : memref<128x128xf32, #tpu.memory_space<vmem>>) dst(%dma_wait3A_422 : memref<128x128xf32, #tpu.memory_space<vmem_shared>>)
      tpu.yield
    }) : () -> ()
    %add3A_191 = arith.constant 128 : i32
    %add3A_192 = arith.addi %mul3A_0, %add3A_191 : i32
    "tpu.region"() ({
      %run_scoped3A = tpu.sem_alloc : memref<!tpu.dma_semaphore, #tpu.memory_space<semaphore_mem>>
      %dma_start3A_415 = arith.constant 0 : i32
      %dma_start3A_416 = tpu.memref_slice %arg6[%add3A_192, %dma_start3A_415] : memref<10240x128xf32, #tpu.memory_space<vmem_shared>> -> memref<128x128xf32, #tpu.memory_space<vmem_shared>>
      %dma_start3A_417 = arith.constant 0 : i32
      %dma_start3A_418 = tpu.memref_slice %arg6[%add3A_192, %dma_start3A_417] : memref<10240x128xf32, #tpu.memory_space<vmem_shared>> -> memref<128x128xf32, #tpu.memory_space<vmem_shared>>
      tpu.enqueue_dma source(%arg10 : memref<128x128xf32, #tpu.memory_space<vmem>>) target(%dma_start3A_418 : memref<128x128xf32, #tpu.memory_space<vmem_shared>>) target_semaphore(%run_scoped3A : memref<!tpu.dma_semaphore, #tpu.memory_space<semaphore_mem>>)
      %dma_wait3A_419 = arith.constant 0 : i32
      %dma_wait3A_420 = tpu.memref_slice %arg6[%add3A_192, %dma_wait3A_419] : memref<10240x128xf32, #tpu.memory_space<vmem_shared>> -> memref<128x128xf32, #tpu.memory_space<vmem_shared>>
      %dma_wait3A_421 = arith.constant 0 : i32
      %dma_wait3A_422 = tpu.memref_slice %arg6[%add3A_192, %dma_wait3A_421] : memref<10240x128xf32, #tpu.memory_space<vmem_shared>> -> memref<128x128xf32, #tpu.memory_space<vmem_shared>>
      tpu.wait_dma2 semaphore(%run_scoped3A : memref<!tpu.dma_semaphore, #tpu.memory_space<semaphore_mem>>) src(%arg10 : memref<128x128xf32, #tpu.memory_space<vmem>>) dst(%dma_wait3A_422 : memref<128x128xf32, #tpu.memory_space<vmem_shared>>)
      tpu.yield
    }) : () -> ()
    %add3A_193 = arith.constant 256 : i32
    %add3A_194 = arith.addi %mul3A_0, %add3A_193 : i32
    "tpu.region"() ({
      %run_scoped3A = tpu.sem_alloc : memref<!tpu.dma_semaphore, #tpu.memory_space<semaphore_mem>>
      %dma_start3A_415 = arith.constant 0 : i32
      %dma_start3A_416 = tpu.memref_slice %arg6[%add3A_194, %dma_start3A_415] : memref<10240x128xf32, #tpu.memory_space<vmem_shared>> -> memref<128x128xf32, #tpu.memory_space<vmem_shared>>
      %dma_start3A_417 = arith.constant 0 : i32
      %dma_start3A_418 = tpu.memref_slice %arg6[%add3A_194, %dma_start3A_417] : memref<10240x128xf32, #tpu.memory_space<vmem_shared>> -> memref<128x128xf32, #tpu.memory_space<vmem_shared>>
      tpu.enqueue_dma source(%arg10 : memref<128x128xf32, #tpu.memory_space<vmem>>) target(%dma_start3A_418 : memref<128x128xf32, #tpu.memory_space<vmem_shared>>) target_semaphore(%run_scoped3A : memref<!tpu.dma_semaphore, #tpu.memory_space<semaphore_mem>>)
      %dma_wait3A_419 = arith.constant 0 : i32
      %dma_wait3A_420 = tpu.memref_slice %arg6[%add3A_194, %dma_wait3A_419] : memref<10240x128xf32, #tpu.memory_space<vmem_shared>> -> memref<128x128xf32, #tpu.memory_space<vmem_shared>>
      %dma_wait3A_421 = arith.constant 0 : i32
      %dma_wait3A_422 = tpu.memref_slice %arg6[%add3A_194, %dma_wait3A_421] : memref<10240x128xf32, #tpu.memory_space<vmem_shared>> -> memref<128x128xf32, #tpu.memory_space<vmem_shared>>
      tpu.wait_dma2 semaphore(%run_scoped3A : memref<!tpu.dma_semaphore, #tpu.memory_space<semaphore_mem>>) src(%arg10 : memref<128x128xf32, #tpu.memory_space<vmem>>) dst(%dma_wait3A_422 : memref<128x128xf32, #tpu.memory_space<vmem_shared>>)
      tpu.yield
    }) : () -> ()
    %add3A_195 = arith.constant 384 : i32
    %add3A_196 = arith.addi %mul3A_0, %add3A_195 : i32
    "tpu.region"() ({
      %run_scoped3A = tpu.sem_alloc : memref<!tpu.dma_semaphore, #tpu.memory_space<semaphore_mem>>
      %dma_start3A_415 = arith.constant 0 : i32
      %dma_start3A_416 = tpu.memref_slice %arg6[%add3A_196, %dma_start3A_415] : memref<10240x128xf32, #tpu.memory_space<vmem_shared>> -> memref<128x128xf32, #tpu.memory_space<vmem_shared>>
      %dma_start3A_417 = arith.constant 0 : i32
      %dma_start3A_418 = tpu.memref_slice %arg6[%add3A_196, %dma_start3A_417] : memref<10240x128xf32, #tpu.memory_space<vmem_shared>> -> memref<128x128xf32, #tpu.memory_space<vmem_shared>>
      tpu.enqueue_dma source(%arg10 : memref<128x128xf32, #tpu.memory_space<vmem>>) target(%dma_start3A_418 : memref<128x128xf32, #tpu.memory_space<vmem_shared>>) target_semaphore(%run_scoped3A : memref<!tpu.dma_semaphore, #tpu.memory_space<semaphore_mem>>)
      %dma_wait3A_419 = arith.constant 0 : i32
      %dma_wait3A_420 = tpu.memref_slice %arg6[%add3A_196, %dma_wait3A_419] : memref<10240x128xf32, #tpu.memory_space<vmem_shared>> -> memref<128x128xf32, #tpu.memory_space<vmem_shared>>
      %dma_wait3A_421 = arith.constant 0 : i32
      %dma_wait3A_422 = tpu.memref_slice %arg6[%add3A_196, %dma_wait3A_421] : memref<10240x128xf32, #tpu.memory_space<vmem_shared>> -> memref<128x128xf32, #tpu.memory_space<vmem_shared>>
      tpu.wait_dma2 semaphore(%run_scoped3A : memref<!tpu.dma_semaphore, #tpu.memory_space<semaphore_mem>>) src(%arg10 : memref<128x128xf32, #tpu.memory_space<vmem>>) dst(%dma_wait3A_422 : memref<128x128xf32, #tpu.memory_space<vmem_shared>>)
      tpu.yield
    }) : () -> ()
    %add3A_197 = arith.constant 512 : i32
    %add3A_198 = arith.addi %mul3A_0, %add3A_197 : i32
    "tpu.region"() ({
      %run_scoped3A = tpu.sem_alloc : memref<!tpu.dma_semaphore, #tpu.memory_space<semaphore_mem>>
      %dma_start3A_415 = arith.constant 0 : i32
      %dma_start3A_416 = tpu.memref_slice %arg6[%add3A_198, %dma_start3A_415] : memref<10240x128xf32, #tpu.memory_space<vmem_shared>> -> memref<128x128xf32, #tpu.memory_space<vmem_shared>>
      %dma_start3A_417 = arith.constant 0 : i32
      %dma_start3A_418 = tpu.memref_slice %arg6[%add3A_198, %dma_start3A_417] : memref<10240x128xf32, #tpu.memory_space<vmem_shared>> -> memref<128x128xf32, #tpu.memory_space<vmem_shared>>
      tpu.enqueue_dma source(%arg10 : memref<128x128xf32, #tpu.memory_space<vmem>>) target(%dma_start3A_418 : memref<128x128xf32, #tpu.memory_space<vmem_shared>>) target_semaphore(%run_scoped3A : memref<!tpu.dma_semaphore, #tpu.memory_space<semaphore_mem>>)
      %dma_wait3A_419 = arith.constant 0 : i32
      %dma_wait3A_420 = tpu.memref_slice %arg6[%add3A_198, %dma_wait3A_419] : memref<10240x128xf32, #tpu.memory_space<vmem_shared>> -> memref<128x128xf32, #tpu.memory_space<vmem_shared>>
      %dma_wait3A_421 = arith.constant 0 : i32
      %dma_wait3A_422 = tpu.memref_slice %arg6[%add3A_198, %dma_wait3A_421] : memref<10240x128xf32, #tpu.memory_space<vmem_shared>> -> memref<128x128xf32, #tpu.memory_space<vmem_shared>>
      tpu.wait_dma2 semaphore(%run_scoped3A : memref<!tpu.dma_semaphore, #tpu.memory_space<semaphore_mem>>) src(%arg10 : memref<128x128xf32, #tpu.memory_space<vmem>>) dst(%dma_wait3A_422 : memref<128x128xf32, #tpu.memory_space<vmem_shared>>)
      tpu.yield
    }) : () -> ()
    %add3A_199 = arith.constant 0 : i32
    %add3A_200 = arith.addi %mul3A_0, %add3A_199 : i32
    "tpu.region"() ({
      %run_scoped3A = tpu.sem_alloc : memref<!tpu.dma_semaphore, #tpu.memory_space<semaphore_mem>>
      %dma_start3A_415 = tpu.memref_slice %arg7[%add3A_200] : memref<10240xf32, #tpu.memory_space<vmem_shared>> -> memref<128xf32, #tpu.memory_space<vmem_shared>>
      %dma_start3A_416 = tpu.memref_slice %arg7[%add3A_200] : memref<10240xf32, #tpu.memory_space<vmem_shared>> -> memref<128xf32, #tpu.memory_space<vmem_shared>>
      tpu.enqueue_dma source(%arg15 : memref<128xf32, #tpu.memory_space<vmem>>) target(%dma_start3A_416 : memref<128xf32, #tpu.memory_space<vmem_shared>>) target_semaphore(%run_scoped3A : memref<!tpu.dma_semaphore, #tpu.memory_space<semaphore_mem>>)
      %dma_wait3A_417 = tpu.memref_slice %arg7[%add3A_200] : memref<10240xf32, #tpu.memory_space<vmem_shared>> -> memref<128xf32, #tpu.memory_space<vmem_shared>>
      %dma_wait3A_418 = tpu.memref_slice %arg7[%add3A_200] : memref<10240xf32, #tpu.memory_space<vmem_shared>> -> memref<128xf32, #tpu.memory_space<vmem_shared>>
      tpu.wait_dma2 semaphore(%run_scoped3A : memref<!tpu.dma_semaphore, #tpu.memory_space<semaphore_mem>>) src(%arg15 : memref<128xf32, #tpu.memory_space<vmem>>) dst(%dma_wait3A_418 : memref<128xf32, #tpu.memory_space<vmem_shared>>)
      tpu.yield
    }) : () -> ()
    %add3A_201 = arith.constant 128 : i32
    %add3A_202 = arith.addi %mul3A_0, %add3A_201 : i32
    "tpu.region"() ({
      %run_scoped3A = tpu.sem_alloc : memref<!tpu.dma_semaphore, #tpu.memory_space<semaphore_mem>>
      %dma_start3A_415 = tpu.memref_slice %arg7[%add3A_202] : memref<10240xf32, #tpu.memory_space<vmem_shared>> -> memref<128xf32, #tpu.memory_space<vmem_shared>>
      %dma_start3A_416 = tpu.memref_slice %arg7[%add3A_202] : memref<10240xf32, #tpu.memory_space<vmem_shared>> -> memref<128xf32, #tpu.memory_space<vmem_shared>>
      tpu.enqueue_dma source(%arg15 : memref<128xf32, #tpu.memory_space<vmem>>) target(%dma_start3A_416 : memref<128xf32, #tpu.memory_space<vmem_shared>>) target_semaphore(%run_scoped3A : memref<!tpu.dma_semaphore, #tpu.memory_space<semaphore_mem>>)
      %dma_wait3A_417 = tpu.memref_slice %arg7[%add3A_202] : memref<10240xf32, #tpu.memory_space<vmem_shared>> -> memref<128xf32, #tpu.memory_space<vmem_shared>>
      %dma_wait3A_418 = tpu.memref_slice %arg7[%add3A_202] : memref<10240xf32, #tpu.memory_space<vmem_shared>> -> memref<128xf32, #tpu.memory_space<vmem_shared>>
      tpu.wait_dma2 semaphore(%run_scoped3A : memref<!tpu.dma_semaphore, #tpu.memory_space<semaphore_mem>>) src(%arg15 : memref<128xf32, #tpu.memory_space<vmem>>) dst(%dma_wait3A_418 : memref<128xf32, #tpu.memory_space<vmem_shared>>)
      tpu.yield
    }) : () -> ()
    %add3A_203 = arith.constant 256 : i32
    %add3A_204 = arith.addi %mul3A_0, %add3A_203 : i32
    "tpu.region"() ({
      %run_scoped3A = tpu.sem_alloc : memref<!tpu.dma_semaphore, #tpu.memory_space<semaphore_mem>>
      %dma_start3A_415 = tpu.memref_slice %arg7[%add3A_204] : memref<10240xf32, #tpu.memory_space<vmem_shared>> -> memref<128xf32, #tpu.memory_space<vmem_shared>>
      %dma_start3A_416 = tpu.memref_slice %arg7[%add3A_204] : memref<10240xf32, #tpu.memory_space<vmem_shared>> -> memref<128xf32, #tpu.memory_space<vmem_shared>>
      tpu.enqueue_dma source(%arg15 : memref<128xf32, #tpu.memory_space<vmem>>) target(%dma_start3A_416 : memref<128xf32, #tpu.memory_space<vmem_shared>>) target_semaphore(%run_scoped3A : memref<!tpu.dma_semaphore, #tpu.memory_space<semaphore_mem>>)
      %dma_wait3A_417 = tpu.memref_slice %arg7[%add3A_204] : memref<10240xf32, #tpu.memory_space<vmem_shared>> -> memref<128xf32, #tpu.memory_space<vmem_shared>>
      %dma_wait3A_418 = tpu.memref_slice %arg7[%add3A_204] : memref<10240xf32, #tpu.memory_space<vmem_shared>> -> memref<128xf32, #tpu.memory_space<vmem_shared>>
      tpu.wait_dma2 semaphore(%run_scoped3A : memref<!tpu.dma_semaphore, #tpu.memory_space<semaphore_mem>>) src(%arg15 : memref<128xf32, #tpu.memory_space<vmem>>) dst(%dma_wait3A_418 : memref<128xf32, #tpu.memory_space<vmem_shared>>)
      tpu.yield
    }) : () -> ()
    %add3A_205 = arith.constant 384 : i32
    %add3A_206 = arith.addi %mul3A_0, %add3A_205 : i32
    "tpu.region"() ({
      %run_scoped3A = tpu.sem_alloc : memref<!tpu.dma_semaphore, #tpu.memory_space<semaphore_mem>>
      %dma_start3A_415 = tpu.memref_slice %arg7[%add3A_206] : memref<10240xf32, #tpu.memory_space<vmem_shared>> -> memref<128xf32, #tpu.memory_space<vmem_shared>>
      %dma_start3A_416 = tpu.memref_slice %arg7[%add3A_206] : memref<10240xf32, #tpu.memory_space<vmem_shared>> -> memref<128xf32, #tpu.memory_space<vmem_shared>>
      tpu.enqueue_dma source(%arg15 : memref<128xf32, #tpu.memory_space<vmem>>) target(%dma_start3A_416 : memref<128xf32, #tpu.memory_space<vmem_shared>>) target_semaphore(%run_scoped3A : memref<!tpu.dma_semaphore, #tpu.memory_space<semaphore_mem>>)
      %dma_wait3A_417 = tpu.memref_slice %arg7[%add3A_206] : memref<10240xf32, #tpu.memory_space<vmem_shared>> -> memref<128xf32, #tpu.memory_space<vmem_shared>>
      %dma_wait3A_418 = tpu.memref_slice %arg7[%add3A_206] : memref<10240xf32, #tpu.memory_space<vmem_shared>> -> memref<128xf32, #tpu.memory_space<vmem_shared>>
      tpu.wait_dma2 semaphore(%run_scoped3A : memref<!tpu.dma_semaphore, #tpu.memory_space<semaphore_mem>>) src(%arg15 : memref<128xf32, #tpu.memory_space<vmem>>) dst(%dma_wait3A_418 : memref<128xf32, #tpu.memory_space<vmem_shared>>)
      tpu.yield
    }) : () -> ()
    %add3A_207 = arith.constant 512 : i32
    %add3A_208 = arith.addi %mul3A_0, %add3A_207 : i32
    "tpu.region"() ({
      %run_scoped3A = tpu.sem_alloc : memref<!tpu.dma_semaphore, #tpu.memory_space<semaphore_mem>>
      %dma_start3A_415 = tpu.memref_slice %arg7[%add3A_208] : memref<10240xf32, #tpu.memory_space<vmem_shared>> -> memref<128xf32, #tpu.memory_space<vmem_shared>>
      %dma_start3A_416 = tpu.memref_slice %arg7[%add3A_208] : memref<10240xf32, #tpu.memory_space<vmem_shared>> -> memref<128xf32, #tpu.memory_space<vmem_shared>>
      tpu.enqueue_dma source(%arg15 : memref<128xf32, #tpu.memory_space<vmem>>) target(%dma_start3A_416 : memref<128xf32, #tpu.memory_space<vmem_shared>>) target_semaphore(%run_scoped3A : memref<!tpu.dma_semaphore, #tpu.memory_space<semaphore_mem>>)
      %dma_wait3A_417 = tpu.memref_slice %arg7[%add3A_208] : memref<10240xf32, #tpu.memory_space<vmem_shared>> -> memref<128xf32, #tpu.memory_space<vmem_shared>>
      %dma_wait3A_418 = tpu.memref_slice %arg7[%add3A_208] : memref<10240xf32, #tpu.memory_space<vmem_shared>> -> memref<128xf32, #tpu.memory_space<vmem_shared>>
      tpu.wait_dma2 semaphore(%run_scoped3A : memref<!tpu.dma_semaphore, #tpu.memory_space<semaphore_mem>>) src(%arg15 : memref<128xf32, #tpu.memory_space<vmem>>) dst(%dma_wait3A_418 : memref<128xf32, #tpu.memory_space<vmem_shared>>)
      tpu.yield
    }) : () -> ()
    %broadcast_in_dim3A_209 = arith.constant 1.000000e+00 : f32
    %broadcast_in_dim3A_210 = vector.broadcast %broadcast_in_dim3A_209 : f32 to vector<16xf32>
    %swap3A_211 = arith.constant 0 : index
    %swap3A_212 = tpu.vector_load %arg15[%swap3A_211] {strides = array<i32>} : memref<128xf32, #tpu.memory_space<vmem>>, vector<16xf32>,
    %swap3A_213 = vector.shape_cast %swap3A_212 : vector<16xf32> to vector<16xf32>
    %swap3A_214 = vector.shape_cast %broadcast_in_dim3A_210 : vector<16xf32> to vector<16xf32>
    tpu.vector_store %arg15[%swap3A_211], %swap3A_214 {strides = array<i32>} : memref<128xf32, #tpu.memory_space<vmem>>, vector<16xf32>,
    %swap3A_215 = arith.constant 16 : index
    %swap3A_216 = tpu.vector_load %arg15[%swap3A_215] {strides = array<i32>} : memref<128xf32, #tpu.memory_space<vmem>>, vector<16xf32>,
    %swap3A_217 = vector.shape_cast %swap3A_216 : vector<16xf32> to vector<16xf32>
    %swap3A_218 = vector.shape_cast %broadcast_in_dim3A_210 : vector<16xf32> to vector<16xf32>
    tpu.vector_store %arg15[%swap3A_215], %swap3A_218 {strides = array<i32>} : memref<128xf32, #tpu.memory_space<vmem>>, vector<16xf32>,
    %swap3A_219 = arith.constant 32 : index
    %swap3A_220 = tpu.vector_load %arg15[%swap3A_219] {strides = array<i32>} : memref<128xf32, #tpu.memory_space<vmem>>, vector<16xf32>,
    %swap3A_221 = vector.shape_cast %swap3A_220 : vector<16xf32> to vector<16xf32>
    %swap3A_222 = vector.shape_cast %broadcast_in_dim3A_210 : vector<16xf32> to vector<16xf32>
    tpu.vector_store %arg15[%swap3A_219], %swap3A_222 {strides = array<i32>} : memref<128xf32, #tpu.memory_space<vmem>>, vector<16xf32>,
    %swap3A_223 = arith.constant 48 : index
    %swap3A_224 = tpu.vector_load %arg15[%swap3A_223] {strides = array<i32>} : memref<128xf32, #tpu.memory_space<vmem>>, vector<16xf32>,
    %swap3A_225 = vector.shape_cast %swap3A_224 : vector<16xf32> to vector<16xf32>
    %swap3A_226 = vector.shape_cast %broadcast_in_dim3A_210 : vector<16xf32> to vector<16xf32>
    tpu.vector_store %arg15[%swap3A_223], %swap3A_226 {strides = array<i32>} : memref<128xf32, #tpu.memory_space<vmem>>, vector<16xf32>,
    %swap3A_227 = arith.constant 64 : index
    %swap3A_228 = tpu.vector_load %arg15[%swap3A_227] {strides = array<i32>} : memref<128xf32, #tpu.memory_space<vmem>>, vector<16xf32>,
    %swap3A_229 = vector.shape_cast %swap3A_228 : vector<16xf32> to vector<16xf32>
    %swap3A_230 = vector.shape_cast %broadcast_in_dim3A_210 : vector<16xf32> to vector<16xf32>
    tpu.vector_store %arg15[%swap3A_227], %swap3A_230 {strides = array<i32>} : memref<128xf32, #tpu.memory_space<vmem>>, vector<16xf32>,
    %swap3A_231 = arith.constant 80 : index
    %swap3A_232 = tpu.vector_load %arg15[%swap3A_231] {strides = array<i32>} : memref<128xf32, #tpu.memory_space<vmem>>, vector<16xf32>,
    %swap3A_233 = vector.shape_cast %swap3A_232 : vector<16xf32> to vector<16xf32>
    %swap3A_234 = vector.shape_cast %broadcast_in_dim3A_210 : vector<16xf32> to vector<16xf32>
    tpu.vector_store %arg15[%swap3A_231], %swap3A_234 {strides = array<i32>} : memref<128xf32, #tpu.memory_space<vmem>>, vector<16xf32>,
    %swap3A_235 = arith.constant 96 : index
    %swap3A_236 = tpu.vector_load %arg15[%swap3A_235] {strides = array<i32>} : memref<128xf32, #tpu.memory_space<vmem>>, vector<16xf32>,
    %swap3A_237 = vector.shape_cast %swap3A_236 : vector<16xf32> to vector<16xf32>
    %swap3A_238 = vector.shape_cast %broadcast_in_dim3A_210 : vector<16xf32> to vector<16xf32>
    tpu.vector_store %arg15[%swap3A_235], %swap3A_238 {strides = array<i32>} : memref<128xf32, #tpu.memory_space<vmem>>, vector<16xf32>,
    %swap3A_239 = arith.constant 112 : index
    %swap3A_240 = tpu.vector_load %arg15[%swap3A_239] {strides = array<i32>} : memref<128xf32, #tpu.memory_space<vmem>>, vector<16xf32>,
    %swap3A_241 = vector.shape_cast %swap3A_240 : vector<16xf32> to vector<16xf32>
    %swap3A_242 = vector.shape_cast %broadcast_in_dim3A_210 : vector<16xf32> to vector<16xf32>
    tpu.vector_store %arg15[%swap3A_239], %swap3A_242 {strides = array<i32>} : memref<128xf32, #tpu.memory_space<vmem>>, vector<16xf32>,
    %get3A_243 = arith.constant 1 : i32
    %get3A_244 = arith.index_cast %get3A_243 : i32 to index
    %get3A_245 = arith.constant 0 : index
    %get3A_246 = tpu.vector_load %arg8[%get3A_244, %get3A_245] {strides = array<i32>} : memref<79x128xi32, #tpu.memory_space<vmem>>, vector<1x16xi32>,
    %get3A_247 = vector.shape_cast %get3A_246 : vector<1x16xi32> to vector<16xi32>
    %and3A_248 = arith.constant 32767 : i32
    %and3A_249 = vector.broadcast %and3A_248 : i32 to vector<16xi32>
    %and3A_250 = arith.andi %get3A_247, %and3A_249 : vector<16xi32>
    %swap3A_251 = arith.constant 0 : index
    %swap3A_252 = tpu.vector_load %arg13[%swap3A_251] {strides = array<i32>} : memref<128xi32, #tpu.memory_space<vmem>>, vector<16xi32>,
    %swap3A_253 = vector.shape_cast %swap3A_252 : vector<16xi32> to vector<16xi32>
    %swap3A_254 = vector.shape_cast %and3A_250 : vector<16xi32> to vector<16xi32>
    tpu.vector_store %arg13[%swap3A_251], %swap3A_254 {strides = array<i32>} : memref<128xi32, #tpu.memory_space<vmem>>, vector<16xi32>,
    %shift_right_logical3A_255 = arith.constant 15 : i32
    %shift_right_logical3A_256 = vector.broadcast %shift_right_logical3A_255 : i32 to vector<16xi32>
    %shift_right_logical3A_257 = arith.shrui %get3A_247, %shift_right_logical3A_256 : vector<16xi32>
    %swap3A_258 = arith.constant 0 : index
    %swap3A_259 = tpu.vector_load %arg14[%swap3A_258] {strides = array<i32>} : memref<128xi32, #tpu.memory_space<vmem>>, vector<16xi32>,
    %swap3A_260 = vector.shape_cast %swap3A_259 : vector<16xi32> to vector<16xi32>
    %swap3A_261 = vector.shape_cast %shift_right_logical3A_257 : vector<16xi32> to vector<16xi32>
    tpu.vector_store %arg14[%swap3A_258], %swap3A_261 {strides = array<i32>} : memref<128xi32, #tpu.memory_space<vmem>>, vector<16xi32>,
    %get3A_262 = arith.constant 1 : i32
    %get3A_263 = arith.index_cast %get3A_262 : i32 to index
    %get3A_264 = arith.constant 16 : index
    %get3A_265 = tpu.vector_load %arg8[%get3A_263, %get3A_264] {strides = array<i32>} : memref<79x128xi32, #tpu.memory_space<vmem>>, vector<1x16xi32>,
    %get3A_266 = vector.shape_cast %get3A_265 : vector<1x16xi32> to vector<16xi32>
    %and3A_267 = arith.constant 32767 : i32
    %and3A_268 = vector.broadcast %and3A_267 : i32 to vector<16xi32>
    %and3A_269 = arith.andi %get3A_266, %and3A_268 : vector<16xi32>
    %swap3A_270 = arith.constant 16 : index
    %swap3A_271 = tpu.vector_load %arg13[%swap3A_270] {strides = array<i32>} : memref<128xi32, #tpu.memory_space<vmem>>, vector<16xi32>,
    %swap3A_272 = vector.shape_cast %swap3A_271 : vector<16xi32> to vector<16xi32>
    %swap3A_273 = vector.shape_cast %and3A_269 : vector<16xi32> to vector<16xi32>
    tpu.vector_store %arg13[%swap3A_270], %swap3A_273 {strides = array<i32>} : memref<128xi32, #tpu.memory_space<vmem>>, vector<16xi32>,
    %shift_right_logical3A_274 = arith.constant 15 : i32
    %shift_right_logical3A_275 = vector.broadcast %shift_right_logical3A_274 : i32 to vector<16xi32>
    %shift_right_logical3A_276 = arith.shrui %get3A_266, %shift_right_logical3A_275 : vector<16xi32>
    %swap3A_277 = arith.constant 16 : index
    %swap3A_278 = tpu.vector_load %arg14[%swap3A_277] {strides = array<i32>} : memref<128xi32, #tpu.memory_space<vmem>>, vector<16xi32>,
    %swap3A_279 = vector.shape_cast %swap3A_278 : vector<16xi32> to vector<16xi32>
    %swap3A_280 = vector.shape_cast %shift_right_logical3A_276 : vector<16xi32> to vector<16xi32>
    tpu.vector_store %arg14[%swap3A_277], %swap3A_280 {strides = array<i32>} : memref<128xi32, #tpu.memory_space<vmem>>, vector<16xi32>,
    %get3A_281 = arith.constant 1 : i32
    %get3A_282 = arith.index_cast %get3A_281 : i32 to index
    %get3A_283 = arith.constant 32 : index
    %get3A_284 = tpu.vector_load %arg8[%get3A_282, %get3A_283] {strides = array<i32>} : memref<79x128xi32, #tpu.memory_space<vmem>>, vector<1x16xi32>,
    %get3A_285 = vector.shape_cast %get3A_284 : vector<1x16xi32> to vector<16xi32>
    %and3A_286 = arith.constant 32767 : i32
    %and3A_287 = vector.broadcast %and3A_286 : i32 to vector<16xi32>
    %and3A_288 = arith.andi %get3A_285, %and3A_287 : vector<16xi32>
    %swap3A_289 = arith.constant 32 : index
    %swap3A_290 = tpu.vector_load %arg13[%swap3A_289] {strides = array<i32>} : memref<128xi32, #tpu.memory_space<vmem>>, vector<16xi32>,
    %swap3A_291 = vector.shape_cast %swap3A_290 : vector<16xi32> to vector<16xi32>
    %swap3A_292 = vector.shape_cast %and3A_288 : vector<16xi32> to vector<16xi32>
    tpu.vector_store %arg13[%swap3A_289], %swap3A_292 {strides = array<i32>} : memref<128xi32, #tpu.memory_space<vmem>>, vector<16xi32>,
    %shift_right_logical3A_293 = arith.constant 15 : i32
    %shift_right_logical3A_294 = vector.broadcast %shift_right_logical3A_293 : i32 to vector<16xi32>
    %shift_right_logical3A_295 = arith.shrui %get3A_285, %shift_right_logical3A_294 : vector<16xi32>
    %swap3A_296 = arith.constant 32 : index
    %swap3A_297 = tpu.vector_load %arg14[%swap3A_296] {strides = array<i32>} : memref<128xi32, #tpu.memory_space<vmem>>, vector<16xi32>,
    %swap3A_298 = vector.shape_cast %swap3A_297 : vector<16xi32> to vector<16xi32>
    %swap3A_299 = vector.shape_cast %shift_right_logical3A_295 : vector<16xi32> to vector<16xi32>
    tpu.vector_store %arg14[%swap3A_296], %swap3A_299 {strides = array<i32>} : memref<128xi32, #tpu.memory_space<vmem>>, vector<16xi32>,
    %get3A_300 = arith.constant 1 : i32
    %get3A_301 = arith.index_cast %get3A_300 : i32 to index
    %get3A_302 = arith.constant 48 : index
    %get3A_303 = tpu.vector_load %arg8[%get3A_301, %get3A_302] {strides = array<i32>} : memref<79x128xi32, #tpu.memory_space<vmem>>, vector<1x16xi32>,
    %get3A_304 = vector.shape_cast %get3A_303 : vector<1x16xi32> to vector<16xi32>
    %and3A_305 = arith.constant 32767 : i32
    %and3A_306 = vector.broadcast %and3A_305 : i32 to vector<16xi32>
    %and3A_307 = arith.andi %get3A_304, %and3A_306 : vector<16xi32>
    %swap3A_308 = arith.constant 48 : index
    %swap3A_309 = tpu.vector_load %arg13[%swap3A_308] {strides = array<i32>} : memref<128xi32, #tpu.memory_space<vmem>>, vector<16xi32>,
    %swap3A_310 = vector.shape_cast %swap3A_309 : vector<16xi32> to vector<16xi32>
    %swap3A_311 = vector.shape_cast %and3A_307 : vector<16xi32> to vector<16xi32>
    tpu.vector_store %arg13[%swap3A_308], %swap3A_311 {strides = array<i32>} : memref<128xi32, #tpu.memory_space<vmem>>, vector<16xi32>,
    %shift_right_logical3A_312 = arith.constant 15 : i32
    %shift_right_logical3A_313 = vector.broadcast %shift_right_logical3A_312 : i32 to vector<16xi32>
    %shift_right_logical3A_314 = arith.shrui %get3A_304, %shift_right_logical3A_313 : vector<16xi32>
    %swap3A_315 = arith.constant 48 : index
    %swap3A_316 = tpu.vector_load %arg14[%swap3A_315] {strides = array<i32>} : memref<128xi32, #tpu.memory_space<vmem>>, vector<16xi32>,
    %swap3A_317 = vector.shape_cast %swap3A_316 : vector<16xi32> to vector<16xi32>
    %swap3A_318 = vector.shape_cast %shift_right_logical3A_314 : vector<16xi32> to vector<16xi32>
    tpu.vector_store %arg14[%swap3A_315], %swap3A_318 {strides = array<i32>} : memref<128xi32, #tpu.memory_space<vmem>>, vector<16xi32>,
    %get3A_319 = arith.constant 1 : i32
    %get3A_320 = arith.index_cast %get3A_319 : i32 to index
    %get3A_321 = arith.constant 64 : index
    %get3A_322 = tpu.vector_load %arg8[%get3A_320, %get3A_321] {strides = array<i32>} : memref<79x128xi32, #tpu.memory_space<vmem>>, vector<1x16xi32>,
    %get3A_323 = vector.shape_cast %get3A_322 : vector<1x16xi32> to vector<16xi32>
    %and3A_324 = arith.constant 32767 : i32
    %and3A_325 = vector.broadcast %and3A_324 : i32 to vector<16xi32>
    %and3A_326 = arith.andi %get3A_323, %and3A_325 : vector<16xi32>
    %swap3A_327 = arith.constant 64 : index
    %swap3A_328 = tpu.vector_load %arg13[%swap3A_327] {strides = array<i32>} : memref<128xi32, #tpu.memory_space<vmem>>, vector<16xi32>,
    %swap3A_329 = vector.shape_cast %swap3A_328 : vector<16xi32> to vector<16xi32>
    %swap3A_330 = vector.shape_cast %and3A_326 : vector<16xi32> to vector<16xi32>
    tpu.vector_store %arg13[%swap3A_327], %swap3A_330 {strides = array<i32>} : memref<128xi32, #tpu.memory_space<vmem>>, vector<16xi32>,
    %shift_right_logical3A_331 = arith.constant 15 : i32
    %shift_right_logical3A_332 = vector.broadcast %shift_right_logical3A_331 : i32 to vector<16xi32>
    %shift_right_logical3A_333 = arith.shrui %get3A_323, %shift_right_logical3A_332 : vector<16xi32>
    %swap3A_334 = arith.constant 64 : index
    %swap3A_335 = tpu.vector_load %arg14[%swap3A_334] {strides = array<i32>} : memref<128xi32, #tpu.memory_space<vmem>>, vector<16xi32>,
    %swap3A_336 = vector.shape_cast %swap3A_335 : vector<16xi32> to vector<16xi32>
    %swap3A_337 = vector.shape_cast %shift_right_logical3A_333 : vector<16xi32> to vector<16xi32>
    tpu.vector_store %arg14[%swap3A_334], %swap3A_337 {strides = array<i32>} : memref<128xi32, #tpu.memory_space<vmem>>, vector<16xi32>,
    %get3A_338 = arith.constant 1 : i32
    %get3A_339 = arith.index_cast %get3A_338 : i32 to index
    %get3A_340 = arith.constant 80 : index
    %get3A_341 = tpu.vector_load %arg8[%get3A_339, %get3A_340] {strides = array<i32>} : memref<79x128xi32, #tpu.memory_space<vmem>>, vector<1x16xi32>,
    %get3A_342 = vector.shape_cast %get3A_341 : vector<1x16xi32> to vector<16xi32>
    %and3A_343 = arith.constant 32767 : i32
    %and3A_344 = vector.broadcast %and3A_343 : i32 to vector<16xi32>
    %and3A_345 = arith.andi %get3A_342, %and3A_344 : vector<16xi32>
    %swap3A_346 = arith.constant 80 : index
    %swap3A_347 = tpu.vector_load %arg13[%swap3A_346] {strides = array<i32>} : memref<128xi32, #tpu.memory_space<vmem>>, vector<16xi32>,
    %swap3A_348 = vector.shape_cast %swap3A_347 : vector<16xi32> to vector<16xi32>
    %swap3A_349 = vector.shape_cast %and3A_345 : vector<16xi32> to vector<16xi32>
    tpu.vector_store %arg13[%swap3A_346], %swap3A_349 {strides = array<i32>} : memref<128xi32, #tpu.memory_space<vmem>>, vector<16xi32>,
    %shift_right_logical3A_350 = arith.constant 15 : i32
    %shift_right_logical3A_351 = vector.broadcast %shift_right_logical3A_350 : i32 to vector<16xi32>
    %shift_right_logical3A_352 = arith.shrui %get3A_342, %shift_right_logical3A_351 : vector<16xi32>
    %swap3A_353 = arith.constant 80 : index
    %swap3A_354 = tpu.vector_load %arg14[%swap3A_353] {strides = array<i32>} : memref<128xi32, #tpu.memory_space<vmem>>, vector<16xi32>,
    %swap3A_355 = vector.shape_cast %swap3A_354 : vector<16xi32> to vector<16xi32>
    %swap3A_356 = vector.shape_cast %shift_right_logical3A_352 : vector<16xi32> to vector<16xi32>
    tpu.vector_store %arg14[%swap3A_353], %swap3A_356 {strides = array<i32>} : memref<128xi32, #tpu.memory_space<vmem>>, vector<16xi32>,
    %get3A_357 = arith.constant 1 : i32
    %get3A_358 = arith.index_cast %get3A_357 : i32 to index
    %get3A_359 = arith.constant 96 : index
    %get3A_360 = tpu.vector_load %arg8[%get3A_358, %get3A_359] {strides = array<i32>} : memref<79x128xi32, #tpu.memory_space<vmem>>, vector<1x16xi32>,
    %get3A_361 = vector.shape_cast %get3A_360 : vector<1x16xi32> to vector<16xi32>
    %and3A_362 = arith.constant 32767 : i32
    %and3A_363 = vector.broadcast %and3A_362 : i32 to vector<16xi32>
    %and3A_364 = arith.andi %get3A_361, %and3A_363 : vector<16xi32>
    %swap3A_365 = arith.constant 96 : index
    %swap3A_366 = tpu.vector_load %arg13[%swap3A_365] {strides = array<i32>} : memref<128xi32, #tpu.memory_space<vmem>>, vector<16xi32>,
    %swap3A_367 = vector.shape_cast %swap3A_366 : vector<16xi32> to vector<16xi32>
    %swap3A_368 = vector.shape_cast %and3A_364 : vector<16xi32> to vector<16xi32>
    tpu.vector_store %arg13[%swap3A_365], %swap3A_368 {strides = array<i32>} : memref<128xi32, #tpu.memory_space<vmem>>, vector<16xi32>,
    %shift_right_logical3A_369 = arith.constant 15 : i32
    %shift_right_logical3A_370 = vector.broadcast %shift_right_logical3A_369 : i32 to vector<16xi32>
    %shift_right_logical3A_371 = arith.shrui %get3A_361, %shift_right_logical3A_370 : vector<16xi32>
    %swap3A_372 = arith.constant 96 : index
    %swap3A_373 = tpu.vector_load %arg14[%swap3A_372] {strides = array<i32>} : memref<128xi32, #tpu.memory_space<vmem>>, vector<16xi32>,
    %swap3A_374 = vector.shape_cast %swap3A_373 : vector<16xi32> to vector<16xi32>
    %swap3A_375 = vector.shape_cast %shift_right_logical3A_371 : vector<16xi32> to vector<16xi32>
    tpu.vector_store %arg14[%swap3A_372], %swap3A_375 {strides = array<i32>} : memref<128xi32, #tpu.memory_space<vmem>>, vector<16xi32>,
    %get3A_376 = arith.constant 1 : i32
    %get3A_377 = arith.index_cast %get3A_376 : i32 to index
    %get3A_378 = arith.constant 112 : index
    %get3A_379 = tpu.vector_load %arg8[%get3A_377, %get3A_378] {strides = array<i32>} : memref<79x128xi32, #tpu.memory_space<vmem>>, vector<1x16xi32>,
    %get3A_380 = vector.shape_cast %get3A_379 : vector<1x16xi32> to vector<16xi32>
    %and3A_381 = arith.constant 32767 : i32
    %and3A_382 = vector.broadcast %and3A_381 : i32 to vector<16xi32>
    %and3A_383 = arith.andi %get3A_380, %and3A_382 : vector<16xi32>
    %swap3A_384 = arith.constant 112 : index
    %swap3A_385 = tpu.vector_load %arg13[%swap3A_384] {strides = array<i32>} : memref<128xi32, #tpu.memory_space<vmem>>, vector<16xi32>,
    %swap3A_386 = vector.shape_cast %swap3A_385 : vector<16xi32> to vector<16xi32>
    %swap3A_387 = vector.shape_cast %and3A_383 : vector<16xi32> to vector<16xi32>
    tpu.vector_store %arg13[%swap3A_384], %swap3A_387 {strides = array<i32>} : memref<128xi32, #tpu.memory_space<vmem>>, vector<16xi32>,
    %shift_right_logical3A_388 = arith.constant 15 : i32
    %shift_right_logical3A_389 = vector.broadcast %shift_right_logical3A_388 : i32 to vector<16xi32>
    %shift_right_logical3A_390 = arith.shrui %get3A_380, %shift_right_logical3A_389 : vector<16xi32>
    %swap3A_391 = arith.constant 112 : index
    %swap3A_392 = tpu.vector_load %arg14[%swap3A_391] {strides = array<i32>} : memref<128xi32, #tpu.memory_space<vmem>>, vector<16xi32>,
    %swap3A_393 = vector.shape_cast %swap3A_392 : vector<16xi32> to vector<16xi32>
    %swap3A_394 = vector.shape_cast %shift_right_logical3A_390 : vector<16xi32> to vector<16xi32>
    tpu.vector_store %arg14[%swap3A_391], %swap3A_394 {strides = array<i32>} : memref<128xi32, #tpu.memory_space<vmem>>, vector<16xi32>,
    %barrier3A = arith.constant 0 : index
    tpu.barrier barrier_id(%barrier3A)
    %scan3A_395 = arith.constant 0 : i32
    %scan3A_396 = arith.constant 0 : i32
    %scan3A_397 = arith.constant 39 : i32
    %scan3A_398 = arith.addi %scan3A_396, %scan3A_397 : i32
    %scan3A_399 = arith.constant 1 : i32
    scf.for %scan3A_415 = %scan3A_396 to %scan3A_398 step %scan3A_399  : i32 {
      %mul3A_416 = arith.constant 2 : i32
      %mul3A_417 = arith.muli %mul3A_416, %scan3A_415 : i32
      %dma_start3A_418 = arith.constant 0 : i32
      %dma_start3A_419 = arith.constant 0 : i32
      %dma_start3A_420 = tpu.memref_slice %arg2[%dma_start3A_418, %dma_start3A_419] : memref<20000x128xf32, #tpu.memory_space<hbm>> -> memref<20000x128xf32, #tpu.memory_space<hbm>>
      tpu.enqueue_indirect_dma source(%dma_start3A_420 : memref<20000x128xf32, #tpu.memory_space<hbm>>) target(%arg10 : memref<128x128xf32, #tpu.memory_space<vmem>>) offsets(%arg13 : memref<128xi32, #tpu.memory_space<vmem>>) semaphore(%arg17 : memref<!tpu.dma_semaphore, #tpu.memory_space<semaphore_mem>>)
      %dma_wait3A_421 = arith.constant 0 : i32
      %dma_wait3A_422 = arith.constant 0 : i32
      %dma_wait3A_423 = tpu.memref_slice %arg2[%dma_wait3A_421, %dma_wait3A_422] : memref<20000x128xf32, #tpu.memory_space<hbm>> -> memref<20000x128xf32, #tpu.memory_space<hbm>>
      tpu.wait_indirect_dma semaphore(%arg16 : memref<!tpu.dma_semaphore, #tpu.memory_space<semaphore_mem>>) src(%dma_wait3A_423 : memref<20000x128xf32, #tpu.memory_space<hbm>>) dst(%arg9 : memref<128x128xf32, #tpu.memory_space<vmem>>)
      %dma_start3A_424 = arith.constant 0 : i32
      %dma_start3A_425 = arith.constant 0 : i32
      %dma_start3A_426 = tpu.memref_slice %arg6[%dma_start3A_424, %dma_start3A_425] : memref<10240x128xf32, #tpu.memory_space<vmem_shared>> -> memref<10240x128xf32, #tpu.memory_space<vmem_shared>>
      tpu.enqueue_indirect_dma source(%arg9 : memref<128x128xf32, #tpu.memory_space<vmem>>) target(%dma_start3A_426 : memref<10240x128xf32, #tpu.memory_space<vmem_shared>>) offsets(%arg12 : memref<128xi32, #tpu.memory_space<vmem>>) semaphore(%arg16 : memref<!tpu.dma_semaphore, #tpu.memory_space<semaphore_mem>>) {add = true}
      %convert_element_type3A_427 = arith.extui %eq3A_1 : i1 to i32
      %cond3A_428 = arith.constant 0 : i32
      %cond3A_429 = arith.cmpi ne, %convert_element_type3A_427, %cond3A_428 : i32
      scf.if %cond3A_429 {
        "tpu.region"() ({
          %run_scoped3A = tpu.sem_alloc : memref<!tpu.dma_semaphore, #tpu.memory_space<semaphore_mem>>
          %dma_start3A_601 = arith.constant 0 : i32
          %dma_start3A_602 = tpu.memref_slice %arg7[%dma_start3A_601] : memref<10240xf32, #tpu.memory_space<vmem_shared>> -> memref<10240xf32, #tpu.memory_space<vmem_shared>>
          tpu.enqueue_indirect_dma source(%arg15 : memref<128xf32, #tpu.memory_space<vmem>>) target(%dma_start3A_602 : memref<10240xf32, #tpu.memory_space<vmem_shared>>) offsets(%arg12 : memref<128xi32, #tpu.memory_space<vmem>>) semaphore(%run_scoped3A : memref<!tpu.dma_semaphore, #tpu.memory_space<semaphore_mem>>) {add = true}
          %dma_wait3A_603 = arith.constant 0 : i32
          %dma_wait3A_604 = tpu.memref_slice %arg7[%dma_wait3A_603] : memref<10240xf32, #tpu.memory_space<vmem_shared>> -> memref<10240xf32, #tpu.memory_space<vmem_shared>>
          tpu.wait_indirect_dma semaphore(%run_scoped3A : memref<!tpu.dma_semaphore, #tpu.memory_space<semaphore_mem>>) src(%arg15 : memref<128xf32, #tpu.memory_space<vmem>>) dst(%dma_wait3A_604 : memref<10240xf32, #tpu.memory_space<vmem_shared>>)
          tpu.yield
        }) : () -> ()
      } else {
      }
      %dma_wait3A_430 = arith.constant 0 : i32
      %dma_wait3A_431 = arith.constant 0 : i32
      %dma_wait3A_432 = tpu.memref_slice %arg6[%dma_wait3A_430, %dma_wait3A_431] : memref<10240x128xf32, #tpu.memory_space<vmem_shared>> -> memref<10240x128xf32, #tpu.memory_space<vmem_shared>>
      tpu.wait_indirect_dma semaphore(%arg16 : memref<!tpu.dma_semaphore, #tpu.memory_space<semaphore_mem>>) src(%arg9 : memref<128x128xf32, #tpu.memory_space<vmem>>) dst(%dma_wait3A_432 : memref<10240x128xf32, #tpu.memory_space<vmem_shared>>)
      %add3A_433 = arith.constant 2 : i32
      %add3A_434 = arith.addi %mul3A_417, %add3A_433 : i32
      %get3A_435 = arith.index_cast %add3A_434 : i32 to index
      %get3A_436 = arith.constant 0 : index
      %get3A_437 = tpu.vector_load %arg8[%get3A_435, %get3A_436] {strides = array<i32>} : memref<79x128xi32, #tpu.memory_space<vmem>>, vector<1x16xi32>,
      %get3A_438 = vector.shape_cast %get3A_437 : vector<1x16xi32> to vector<16xi32>
      %and3A_439 = arith.constant 32767 : i32
      %and3A_440 = vector.broadcast %and3A_439 : i32 to vector<16xi32>
      %and3A_441 = arith.andi %get3A_438, %and3A_440 : vector<16xi32>
      %swap3A_442 = arith.constant 0 : index
      %swap3A_443 = tpu.vector_load %arg11[%swap3A_442] {strides = array<i32>} : memref<128xi32, #tpu.memory_space<vmem>>, vector<16xi32>,
      %swap3A_444 = vector.shape_cast %swap3A_443 : vector<16xi32> to vector<16xi32>
      %swap3A_445 = vector.shape_cast %and3A_441 : vector<16xi32> to vector<16xi32>
      tpu.vector_store %arg11[%swap3A_442], %swap3A_445 {strides = array<i32>} : memref<128xi32, #tpu.memory_space<vmem>>, vector<16xi32>,
      %shift_right_logical3A_446 = arith.constant 15 : i32
      %shift_right_logical3A_447 = vector.broadcast %shift_right_logical3A_446 : i32 to vector<16xi32>
      %shift_right_logical3A_448 = arith.shrui %get3A_438, %shift_right_logical3A_447 : vector<16xi32>
      %swap3A_449 = arith.constant 0 : index
      %swap3A_450 = tpu.vector_load %arg12[%swap3A_449] {strides = array<i32>} : memref<128xi32, #tpu.memory_space<vmem>>, vector<16xi32>,
      %swap3A_451 = vector.shape_cast %swap3A_450 : vector<16xi32> to vector<16xi32>
      %swap3A_452 = vector.shape_cast %shift_right_logical3A_448 : vector<16xi32> to vector<16xi32>
      tpu.vector_store %arg12[%swap3A_449], %swap3A_452 {strides = array<i32>} : memref<128xi32, #tpu.memory_space<vmem>>, vector<16xi32>,
      %get3A_453 = arith.index_cast %add3A_434 : i32 to index
      %get3A_454 = arith.constant 16 : index
      %get3A_455 = tpu.vector_load %arg8[%get3A_453, %get3A_454] {strides = array<i32>} : memref<79x128xi32, #tpu.memory_space<vmem>>, vector<1x16xi32>,
      %get3A_456 = vector.shape_cast %get3A_455 : vector<1x16xi32> to vector<16xi32>
      %and3A_457 = arith.constant 32767 : i32
      %and3A_458 = vector.broadcast %and3A_457 : i32 to vector<16xi32>
      %and3A_459 = arith.andi %get3A_456, %and3A_458 : vector<16xi32>
      %swap3A_460 = arith.constant 16 : index
      %swap3A_461 = tpu.vector_load %arg11[%swap3A_460] {strides = array<i32>} : memref<128xi32, #tpu.memory_space<vmem>>, vector<16xi32>,
      %swap3A_462 = vector.shape_cast %swap3A_461 : vector<16xi32> to vector<16xi32>
      %swap3A_463 = vector.shape_cast %and3A_459 : vector<16xi32> to vector<16xi32>
      tpu.vector_store %arg11[%swap3A_460], %swap3A_463 {strides = array<i32>} : memref<128xi32, #tpu.memory_space<vmem>>, vector<16xi32>,
      %shift_right_logical3A_464 = arith.constant 15 : i32
      %shift_right_logical3A_465 = vector.broadcast %shift_right_logical3A_464 : i32 to vector<16xi32>
      %shift_right_logical3A_466 = arith.shrui %get3A_456, %shift_right_logical3A_465 : vector<16xi32>
      %swap3A_467 = arith.constant 16 : index
      %swap3A_468 = tpu.vector_load %arg12[%swap3A_467] {strides = array<i32>} : memref<128xi32, #tpu.memory_space<vmem>>, vector<16xi32>,
      %swap3A_469 = vector.shape_cast %swap3A_468 : vector<16xi32> to vector<16xi32>
      %swap3A_470 = vector.shape_cast %shift_right_logical3A_466 : vector<16xi32> to vector<16xi32>
      tpu.vector_store %arg12[%swap3A_467], %swap3A_470 {strides = array<i32>} : memref<128xi32, #tpu.memory_space<vmem>>, vector<16xi32>,
      %get3A_471 = arith.index_cast %add3A_434 : i32 to index
      %get3A_472 = arith.constant 32 : index
      %get3A_473 = tpu.vector_load %arg8[%get3A_471, %get3A_472] {strides = array<i32>} : memref<79x128xi32, #tpu.memory_space<vmem>>, vector<1x16xi32>,
      %get3A_474 = vector.shape_cast %get3A_473 : vector<1x16xi32> to vector<16xi32>
      %and3A_475 = arith.constant 32767 : i32
      %and3A_476 = vector.broadcast %and3A_475 : i32 to vector<16xi32>
      %and3A_477 = arith.andi %get3A_474, %and3A_476 : vector<16xi32>
      %swap3A_478 = arith.constant 32 : index
      %swap3A_479 = tpu.vector_load %arg11[%swap3A_478] {strides = array<i32>} : memref<128xi32, #tpu.memory_space<vmem>>, vector<16xi32>,
      %swap3A_480 = vector.shape_cast %swap3A_479 : vector<16xi32> to vector<16xi32>
      %swap3A_481 = vector.shape_cast %and3A_477 : vector<16xi32> to vector<16xi32>
      tpu.vector_store %arg11[%swap3A_478], %swap3A_481 {strides = array<i32>} : memref<128xi32, #tpu.memory_space<vmem>>, vector<16xi32>,
      %shift_right_logical3A_482 = arith.constant 15 : i32
      %shift_right_logical3A_483 = vector.broadcast %shift_right_logical3A_482 : i32 to vector<16xi32>
      %shift_right_logical3A_484 = arith.shrui %get3A_474, %shift_right_logical3A_483 : vector<16xi32>
      %swap3A_485 = arith.constant 32 : index
      %swap3A_486 = tpu.vector_load %arg12[%swap3A_485] {strides = array<i32>} : memref<128xi32, #tpu.memory_space<vmem>>, vector<16xi32>,
      %swap3A_487 = vector.shape_cast %swap3A_486 : vector<16xi32> to vector<16xi32>
      %swap3A_488 = vector.shape_cast %shift_right_logical3A_484 : vector<16xi32> to vector<16xi32>
      tpu.vector_store %arg12[%swap3A_485], %swap3A_488 {strides = array<i32>} : memref<128xi32, #tpu.memory_space<vmem>>, vector<16xi32>,
      %get3A_489 = arith.index_cast %add3A_434 : i32 to index
      %get3A_490 = arith.constant 48 : index
      %get3A_491 = tpu.vector_load %arg8[%get3A_489, %get3A_490] {strides = array<i32>} : memref<79x128xi32, #tpu.memory_space<vmem>>, vector<1x16xi32>,
      %get3A_492 = vector.shape_cast %get3A_491 : vector<1x16xi32> to vector<16xi32>
      %and3A_493 = arith.constant 32767 : i32
      %and3A_494 = vector.broadcast %and3A_493 : i32 to vector<16xi32>
      %and3A_495 = arith.andi %get3A_492, %and3A_494 : vector<16xi32>
      %swap3A_496 = arith.constant 48 : index
      %swap3A_497 = tpu.vector_load %arg11[%swap3A_496] {strides = array<i32>} : memref<128xi32, #tpu.memory_space<vmem>>, vector<16xi32>,
      %swap3A_498 = vector.shape_cast %swap3A_497 : vector<16xi32> to vector<16xi32>
      %swap3A_499 = vector.shape_cast %and3A_495 : vector<16xi32> to vector<16xi32>
      tpu.vector_store %arg11[%swap3A_496], %swap3A_499 {strides = array<i32>} : memref<128xi32, #tpu.memory_space<vmem>>, vector<16xi32>,
      %shift_right_logical3A_500 = arith.constant 15 : i32
      %shift_right_logical3A_501 = vector.broadcast %shift_right_logical3A_500 : i32 to vector<16xi32>
      %shift_right_logical3A_502 = arith.shrui %get3A_492, %shift_right_logical3A_501 : vector<16xi32>
      %swap3A_503 = arith.constant 48 : index
      %swap3A_504 = tpu.vector_load %arg12[%swap3A_503] {strides = array<i32>} : memref<128xi32, #tpu.memory_space<vmem>>, vector<16xi32>,
      %swap3A_505 = vector.shape_cast %swap3A_504 : vector<16xi32> to vector<16xi32>
      %swap3A_506 = vector.shape_cast %shift_right_logical3A_502 : vector<16xi32> to vector<16xi32>
      tpu.vector_store %arg12[%swap3A_503], %swap3A_506 {strides = array<i32>} : memref<128xi32, #tpu.memory_space<vmem>>, vector<16xi32>,
      %get3A_507 = arith.index_cast %add3A_434 : i32 to index
      %get3A_508 = arith.constant 64 : index
      %get3A_509 = tpu.vector_load %arg8[%get3A_507, %get3A_508] {strides = array<i32>} : memref<79x128xi32, #tpu.memory_space<vmem>>, vector<1x16xi32>,
      %get3A_510 = vector.shape_cast %get3A_509 : vector<1x16xi32> to vector<16xi32>
      %and3A_511 = arith.constant 32767 : i32
      %and3A_512 = vector.broadcast %and3A_511 : i32 to vector<16xi32>
      %and3A_513 = arith.andi %get3A_510, %and3A_512 : vector<16xi32>
      %swap3A_514 = arith.constant 64 : index
      %swap3A_515 = tpu.vector_load %arg11[%swap3A_514] {strides = array<i32>} : memref<128xi32, #tpu.memory_space<vmem>>, vector<16xi32>,
      %swap3A_516 = vector.shape_cast %swap3A_515 : vector<16xi32> to vector<16xi32>
      %swap3A_517 = vector.shape_cast %and3A_513 : vector<16xi32> to vector<16xi32>
      tpu.vector_store %arg11[%swap3A_514], %swap3A_517 {strides = array<i32>} : memref<128xi32, #tpu.memory_space<vmem>>, vector<16xi32>,
      %shift_right_logical3A_518 = arith.constant 15 : i32
      %shift_right_logical3A_519 = vector.broadcast %shift_right_logical3A_518 : i32 to vector<16xi32>
      %shift_right_logical3A_520 = arith.shrui %get3A_510, %shift_right_logical3A_519 : vector<16xi32>
      %swap3A_521 = arith.constant 64 : index
      %swap3A_522 = tpu.vector_load %arg12[%swap3A_521] {strides = array<i32>} : memref<128xi32, #tpu.memory_space<vmem>>, vector<16xi32>,
      %swap3A_523 = vector.shape_cast %swap3A_522 : vector<16xi32> to vector<16xi32>
      %swap3A_524 = vector.shape_cast %shift_right_logical3A_520 : vector<16xi32> to vector<16xi32>
      tpu.vector_store %arg12[%swap3A_521], %swap3A_524 {strides = array<i32>} : memref<128xi32, #tpu.memory_space<vmem>>, vector<16xi32>,
      %get3A_525 = arith.index_cast %add3A_434 : i32 to index
      %get3A_526 = arith.constant 80 : index
      %get3A_527 = tpu.vector_load %arg8[%get3A_525, %get3A_526] {strides = array<i32>} : memref<79x128xi32, #tpu.memory_space<vmem>>, vector<1x16xi32>,
      %get3A_528 = vector.shape_cast %get3A_527 : vector<1x16xi32> to vector<16xi32>
      %and3A_529 = arith.constant 32767 : i32
      %and3A_530 = vector.broadcast %and3A_529 : i32 to vector<16xi32>
      %and3A_531 = arith.andi %get3A_528, %and3A_530 : vector<16xi32>
      %swap3A_532 = arith.constant 80 : index
      %swap3A_533 = tpu.vector_load %arg11[%swap3A_532] {strides = array<i32>} : memref<128xi32, #tpu.memory_space<vmem>>, vector<16xi32>,
      %swap3A_534 = vector.shape_cast %swap3A_533 : vector<16xi32> to vector<16xi32>
      %swap3A_535 = vector.shape_cast %and3A_531 : vector<16xi32> to vector<16xi32>
      tpu.vector_store %arg11[%swap3A_532], %swap3A_535 {strides = array<i32>} : memref<128xi32, #tpu.memory_space<vmem>>, vector<16xi32>,
      %shift_right_logical3A_536 = arith.constant 15 : i32
      %shift_right_logical3A_537 = vector.broadcast %shift_right_logical3A_536 : i32 to vector<16xi32>
      %shift_right_logical3A_538 = arith.shrui %get3A_528, %shift_right_logical3A_537 : vector<16xi32>
      %swap3A_539 = arith.constant 80 : index
      %swap3A_540 = tpu.vector_load %arg12[%swap3A_539] {strides = array<i32>} : memref<128xi32, #tpu.memory_space<vmem>>, vector<16xi32>,
      %swap3A_541 = vector.shape_cast %swap3A_540 : vector<16xi32> to vector<16xi32>
      %swap3A_542 = vector.shape_cast %shift_right_logical3A_538 : vector<16xi32> to vector<16xi32>
      tpu.vector_store %arg12[%swap3A_539], %swap3A_542 {strides = array<i32>} : memref<128xi32, #tpu.memory_space<vmem>>, vector<16xi32>,
      %get3A_543 = arith.index_cast %add3A_434 : i32 to index
      %get3A_544 = arith.constant 96 : index
      %get3A_545 = tpu.vector_load %arg8[%get3A_543, %get3A_544] {strides = array<i32>} : memref<79x128xi32, #tpu.memory_space<vmem>>, vector<1x16xi32>,
      %get3A_546 = vector.shape_cast %get3A_545 : vector<1x16xi32> to vector<16xi32>
      %and3A_547 = arith.constant 32767 : i32
      %and3A_548 = vector.broadcast %and3A_547 : i32 to vector<16xi32>
      %and3A_549 = arith.andi %get3A_546, %and3A_548 : vector<16xi32>
      %swap3A_550 = arith.constant 96 : index
      %swap3A_551 = tpu.vector_load %arg11[%swap3A_550] {strides = array<i32>} : memref<128xi32, #tpu.memory_space<vmem>>, vector<16xi32>,
      %swap3A_552 = vector.shape_cast %swap3A_551 : vector<16xi32> to vector<16xi32>
      %swap3A_553 = vector.shape_cast %and3A_549 : vector<16xi32> to vector<16xi32>
      tpu.vector_store %arg11[%swap3A_550], %swap3A_553 {strides = array<i32>} : memref<128xi32, #tpu.memory_space<vmem>>, vector<16xi32>,
      %shift_right_logical3A_554 = arith.constant 15 : i32
      %shift_right_logical3A_555 = vector.broadcast %shift_right_logical3A_554 : i32 to vector<16xi32>
      %shift_right_logical3A_556 = arith.shrui %get3A_546, %shift_right_logical3A_555 : vector<16xi32>
      %swap3A_557 = arith.constant 96 : index
      %swap3A_558 = tpu.vector_load %arg12[%swap3A_557] {strides = array<i32>} : memref<128xi32, #tpu.memory_space<vmem>>, vector<16xi32>,
      %swap3A_559 = vector.shape_cast %swap3A_558 : vector<16xi32> to vector<16xi32>
      %swap3A_560 = vector.shape_cast %shift_right_logical3A_556 : vector<16xi32> to vector<16xi32>
      tpu.vector_store %arg12[%swap3A_557], %swap3A_560 {strides = array<i32>} : memref<128xi32, #tpu.memory_space<vmem>>, vector<16xi32>,
      %get3A_561 = arith.index_cast %add3A_434 : i32 to index
      %get3A_562 = arith.constant 112 : index
      %get3A_563 = tpu.vector_load %arg8[%get3A_561, %get3A_562] {strides = array<i32>} : memref<79x128xi32, #tpu.memory_space<vmem>>, vector<1x16xi32>,
      %get3A_564 = vector.shape_cast %get3A_563 : vector<1x16xi32> to vector<16xi32>
      %and3A_565 = arith.constant 32767 : i32
      %and3A_566 = vector.broadcast %and3A_565 : i32 to vector<16xi32>
      %and3A_567 = arith.andi %get3A_564, %and3A_566 : vector<16xi32>
      %swap3A_568 = arith.constant 112 : index
      %swap3A_569 = tpu.vector_load %arg11[%swap3A_568] {strides = array<i32>} : memref<128xi32, #tpu.memory_space<vmem>>, vector<16xi32>,
      %swap3A_570 = vector.shape_cast %swap3A_569 : vector<16xi32> to vector<16xi32>
      %swap3A_571 = vector.shape_cast %and3A_567 : vector<16xi32> to vector<16xi32>
      tpu.vector_store %arg11[%swap3A_568], %swap3A_571 {strides = array<i32>} : memref<128xi32, #tpu.memory_space<vmem>>, vector<16xi32>,
      %shift_right_logical3A_572 = arith.constant 15 : i32
      %shift_right_logical3A_573 = vector.broadcast %shift_right_logical3A_572 : i32 to vector<16xi32>
      %shift_right_logical3A_574 = arith.shrui %get3A_564, %shift_right_logical3A_573 : vector<16xi32>
      %swap3A_575 = arith.constant 112 : index
      %swap3A_576 = tpu.vector_load %arg12[%swap3A_575] {strides = array<i32>} : memref<128xi32, #tpu.memory_space<vmem>>, vector<16xi32>,
      %swap3A_577 = vector.shape_cast %swap3A_576 : vector<16xi32> to vector<16xi32>
      %swap3A_578 = vector.shape_cast %shift_right_logical3A_574 : vector<16xi32> to vector<16xi32>
      tpu.vector_store %arg12[%swap3A_575], %swap3A_578 {strides = array<i32>} : memref<128xi32, #tpu.memory_space<vmem>>, vector<16xi32>,
      %dma_start3A_579 = arith.constant 0 : i32
      %dma_start3A_580 = arith.constant 0 : i32
      %dma_start3A_581 = tpu.memref_slice %arg2[%dma_start3A_579, %dma_start3A_580] : memref<20000x128xf32, #tpu.memory_space<hbm>> -> memref<20000x128xf32, #tpu.memory_space<hbm>>
      tpu.enqueue_indirect_dma source(%dma_start3A_581 : memref<20000x128xf32, #tpu.memory_space<hbm>>) target(%arg9 : memref<128x128xf32, #tpu.memory_space<vmem>>) offsets(%arg11 : memref<128xi32, #tpu.memory_space<vmem>>) semaphore(%arg16 : memref<!tpu.dma_semaphore, #tpu.memory_space<semaphore_mem>>)
      %dma_wait3A_582 = arith.constant 0 : i32
      %dma_wait3A_583 = arith.constant 0 : i32
      %dma_wait3A_584 = tpu.memref_slice %arg2[%dma_wait3A_582, %dma_wait3A_583] : memref<20000x128xf32, #tpu.memory_space<hbm>> -> memref<20000x128xf32, #tpu.memory_space<hbm>>
      tpu.wait_indirect_dma semaphore(%arg17 : memref<!tpu.dma_semaphore, #tpu.memory_space<semaphore_mem>>) src(%dma_wait3A_584 : memref<20000x128xf32, #tpu.memory_space<hbm>>) dst(%arg10 : memref<128x128xf32, #tpu.memory_space<vmem>>)
      %dma_start3A_585 = arith.constant 0 : i32
      %dma_start3A_586 = arith.constant 0 : i32
      %dma_start3A_587 = tpu.memref_slice %arg6[%dma_start3A_585, %dma_start3A_586] : memref<10240x128xf32, #tpu.memory_space<vmem_shared>> -> memref<10240x128xf32, #tpu.memory_space<vmem_shared>>
      tpu.enqueue_indirect_dma source(%arg10 : memref<128x128xf32, #tpu.memory_space<vmem>>) target(%dma_start3A_587 : memref<10240x128xf32, #tpu.memory_space<vmem_shared>>) offsets(%arg14 : memref<128xi32, #tpu.memory_space<vmem>>) semaphore(%arg17 : memref<!tpu.dma_semaphore, #tpu.memory_space<semaphore_mem>>) {add = true}
      %not3A = arith.constant true
      %not3A_588 = arith.xori %eq3A_1, %not3A : i1
      %convert_element_type3A_589 = arith.extui %not3A_588 : i1 to i32
      %cond3A_590 = arith.constant 0 : i32
      %cond3A_591 = arith.cmpi ne, %convert_element_type3A_589, %cond3A_590 : i32
      scf.if %cond3A_591 {
        "tpu.region"() ({
          %run_scoped3A = tpu.sem_alloc : memref<!tpu.dma_semaphore, #tpu.memory_space<semaphore_mem>>
          %dma_start3A_601 = arith.constant 0 : i32
          %dma_start3A_602 = tpu.memref_slice %arg7[%dma_start3A_601] : memref<10240xf32, #tpu.memory_space<vmem_shared>> -> memref<10240xf32, #tpu.memory_space<vmem_shared>>
          tpu.enqueue_indirect_dma source(%arg15 : memref<128xf32, #tpu.memory_space<vmem>>) target(%dma_start3A_602 : memref<10240xf32, #tpu.memory_space<vmem_shared>>) offsets(%arg14 : memref<128xi32, #tpu.memory_space<vmem>>) semaphore(%run_scoped3A : memref<!tpu.dma_semaphore, #tpu.memory_space<semaphore_mem>>) {add = true}
          %dma_wait3A_603 = arith.constant 0 : i32
          %dma_wait3A_604 = tpu.memref_slice %arg7[%dma_wait3A_603] : memref<10240xf32, #tpu.memory_space<vmem_shared>> -> memref<10240xf32, #tpu.memory_space<vmem_shared>>
          tpu.wait_indirect_dma semaphore(%run_scoped3A : memref<!tpu.dma_semaphore, #tpu.memory_space<semaphore_mem>>) src(%arg15 : memref<128xf32, #tpu.memory_space<vmem>>) dst(%dma_wait3A_604 : memref<10240xf32, #tpu.memory_space<vmem_shared>>)
          tpu.yield
        }) : () -> ()
      } else {
      }
      %dma_wait3A_592 = arith.constant 0 : i32
      %dma_wait3A_593 = arith.constant 0 : i32
      %dma_wait3A_594 = tpu.memref_slice %arg6[%dma_wait3A_592, %dma_wait3A_593] : memref<10240x128xf32, #tpu.memory_space<vmem_shared>> -> memref<10240x128xf32, #tpu.memory_space<vmem_shared>>
      tpu.wait_indirect_dma semaphore(%arg17 : memref<!tpu.dma_semaphore, #tpu.memory_space<semaphore_mem>>) src(%arg10 : memref<128x128xf32, #tpu.memory_space<vmem>>) dst(%dma_wait3A_594 : memref<10240x128xf32, #tpu.memory_space<vmem_shared>>)
      %add3A_595 = arith.constant 3 : i32
      %add3A_596 = arith.addi %mul3A_417, %add3A_595 : i32
      %lt3A = arith.constant 79 : i32
      %lt3A_597 = arith.cmpi slt, %add3A_596, %lt3A : i32
      %convert_element_type3A_598 = arith.extui %lt3A_597 : i1 to i32
      %cond3A_599 = arith.constant 0 : i32
      %cond3A_600 = arith.cmpi ne, %convert_element_type3A_598, %cond3A_599 : i32
      scf.if %cond3A_600 {
        %add3A_601 = arith.constant 3 : i32
        %add3A_602 = arith.addi %mul3A_417, %add3A_601 : i32
        %get3A_603 = arith.index_cast %add3A_602 : i32 to index
        %get3A_604 = arith.constant 0 : index
        %get3A_605 = tpu.vector_load %arg8[%get3A_603, %get3A_604] {strides = array<i32>} : memref<79x128xi32, #tpu.memory_space<vmem>>, vector<1x16xi32>,
        %get3A_606 = vector.shape_cast %get3A_605 : vector<1x16xi32> to vector<16xi32>
        %and3A_607 = arith.constant 32767 : i32
        %and3A_608 = vector.broadcast %and3A_607 : i32 to vector<16xi32>
        %and3A_609 = arith.andi %get3A_606, %and3A_608 : vector<16xi32>
        %swap3A_610 = arith.constant 0 : index
        %swap3A_611 = tpu.vector_load %arg13[%swap3A_610] {strides = array<i32>} : memref<128xi32, #tpu.memory_space<vmem>>, vector<16xi32>,
        %swap3A_612 = vector.shape_cast %swap3A_611 : vector<16xi32> to vector<16xi32>
        %swap3A_613 = vector.shape_cast %and3A_609 : vector<16xi32> to vector<16xi32>
        tpu.vector_store %arg13[%swap3A_610], %swap3A_613 {strides = array<i32>} : memref<128xi32, #tpu.memory_space<vmem>>, vector<16xi32>,
        %shift_right_logical3A_614 = arith.constant 15 : i32
        %shift_right_logical3A_615 = vector.broadcast %shift_right_logical3A_614 : i32 to vector<16xi32>
        %shift_right_logical3A_616 = arith.shrui %get3A_606, %shift_right_logical3A_615 : vector<16xi32>
        %swap3A_617 = arith.constant 0 : index
        %swap3A_618 = tpu.vector_load %arg14[%swap3A_617] {strides = array<i32>} : memref<128xi32, #tpu.memory_space<vmem>>, vector<16xi32>,
        %swap3A_619 = vector.shape_cast %swap3A_618 : vector<16xi32> to vector<16xi32>
        %swap3A_620 = vector.shape_cast %shift_right_logical3A_616 : vector<16xi32> to vector<16xi32>
        tpu.vector_store %arg14[%swap3A_617], %swap3A_620 {strides = array<i32>} : memref<128xi32, #tpu.memory_space<vmem>>, vector<16xi32>,
        %get3A_621 = arith.index_cast %add3A_602 : i32 to index
        %get3A_622 = arith.constant 16 : index
        %get3A_623 = tpu.vector_load %arg8[%get3A_621, %get3A_622] {strides = array<i32>} : memref<79x128xi32, #tpu.memory_space<vmem>>, vector<1x16xi32>,
        %get3A_624 = vector.shape_cast %get3A_623 : vector<1x16xi32> to vector<16xi32>
        %and3A_625 = arith.constant 32767 : i32
        %and3A_626 = vector.broadcast %and3A_625 : i32 to vector<16xi32>
        %and3A_627 = arith.andi %get3A_624, %and3A_626 : vector<16xi32>
        %swap3A_628 = arith.constant 16 : index
        %swap3A_629 = tpu.vector_load %arg13[%swap3A_628] {strides = array<i32>} : memref<128xi32, #tpu.memory_space<vmem>>, vector<16xi32>,
        %swap3A_630 = vector.shape_cast %swap3A_629 : vector<16xi32> to vector<16xi32>
        %swap3A_631 = vector.shape_cast %and3A_627 : vector<16xi32> to vector<16xi32>
        tpu.vector_store %arg13[%swap3A_628], %swap3A_631 {strides = array<i32>} : memref<128xi32, #tpu.memory_space<vmem>>, vector<16xi32>,
        %shift_right_logical3A_632 = arith.constant 15 : i32
        %shift_right_logical3A_633 = vector.broadcast %shift_right_logical3A_632 : i32 to vector<16xi32>
        %shift_right_logical3A_634 = arith.shrui %get3A_624, %shift_right_logical3A_633 : vector<16xi32>
        %swap3A_635 = arith.constant 16 : index
        %swap3A_636 = tpu.vector_load %arg14[%swap3A_635] {strides = array<i32>} : memref<128xi32, #tpu.memory_space<vmem>>, vector<16xi32>,
        %swap3A_637 = vector.shape_cast %swap3A_636 : vector<16xi32> to vector<16xi32>
        %swap3A_638 = vector.shape_cast %shift_right_logical3A_634 : vector<16xi32> to vector<16xi32>
        tpu.vector_store %arg14[%swap3A_635], %swap3A_638 {strides = array<i32>} : memref<128xi32, #tpu.memory_space<vmem>>, vector<16xi32>,
        %get3A_639 = arith.index_cast %add3A_602 : i32 to index
        %get3A_640 = arith.constant 32 : index
        %get3A_641 = tpu.vector_load %arg8[%get3A_639, %get3A_640] {strides = array<i32>} : memref<79x128xi32, #tpu.memory_space<vmem>>, vector<1x16xi32>,
        %get3A_642 = vector.shape_cast %get3A_641 : vector<1x16xi32> to vector<16xi32>
        %and3A_643 = arith.constant 32767 : i32
        %and3A_644 = vector.broadcast %and3A_643 : i32 to vector<16xi32>
        %and3A_645 = arith.andi %get3A_642, %and3A_644 : vector<16xi32>
        %swap3A_646 = arith.constant 32 : index
        %swap3A_647 = tpu.vector_load %arg13[%swap3A_646] {strides = array<i32>} : memref<128xi32, #tpu.memory_space<vmem>>, vector<16xi32>,
        %swap3A_648 = vector.shape_cast %swap3A_647 : vector<16xi32> to vector<16xi32>
        %swap3A_649 = vector.shape_cast %and3A_645 : vector<16xi32> to vector<16xi32>
        tpu.vector_store %arg13[%swap3A_646], %swap3A_649 {strides = array<i32>} : memref<128xi32, #tpu.memory_space<vmem>>, vector<16xi32>,
        %shift_right_logical3A_650 = arith.constant 15 : i32
        %shift_right_logical3A_651 = vector.broadcast %shift_right_logical3A_650 : i32 to vector<16xi32>
        %shift_right_logical3A_652 = arith.shrui %get3A_642, %shift_right_logical3A_651 : vector<16xi32>
        %swap3A_653 = arith.constant 32 : index
        %swap3A_654 = tpu.vector_load %arg14[%swap3A_653] {strides = array<i32>} : memref<128xi32, #tpu.memory_space<vmem>>, vector<16xi32>,
        %swap3A_655 = vector.shape_cast %swap3A_654 : vector<16xi32> to vector<16xi32>
        %swap3A_656 = vector.shape_cast %shift_right_logical3A_652 : vector<16xi32> to vector<16xi32>
        tpu.vector_store %arg14[%swap3A_653], %swap3A_656 {strides = array<i32>} : memref<128xi32, #tpu.memory_space<vmem>>, vector<16xi32>,
        %get3A_657 = arith.index_cast %add3A_602 : i32 to index
        %get3A_658 = arith.constant 48 : index
        %get3A_659 = tpu.vector_load %arg8[%get3A_657, %get3A_658] {strides = array<i32>} : memref<79x128xi32, #tpu.memory_space<vmem>>, vector<1x16xi32>,
        %get3A_660 = vector.shape_cast %get3A_659 : vector<1x16xi32> to vector<16xi32>
        %and3A_661 = arith.constant 32767 : i32
        %and3A_662 = vector.broadcast %and3A_661 : i32 to vector<16xi32>
        %and3A_663 = arith.andi %get3A_660, %and3A_662 : vector<16xi32>
        %swap3A_664 = arith.constant 48 : index
        %swap3A_665 = tpu.vector_load %arg13[%swap3A_664] {strides = array<i32>} : memref<128xi32, #tpu.memory_space<vmem>>, vector<16xi32>,
        %swap3A_666 = vector.shape_cast %swap3A_665 : vector<16xi32> to vector<16xi32>
        %swap3A_667 = vector.shape_cast %and3A_663 : vector<16xi32> to vector<16xi32>
        tpu.vector_store %arg13[%swap3A_664], %swap3A_667 {strides = array<i32>} : memref<128xi32, #tpu.memory_space<vmem>>, vector<16xi32>,
        %shift_right_logical3A_668 = arith.constant 15 : i32
        %shift_right_logical3A_669 = vector.broadcast %shift_right_logical3A_668 : i32 to vector<16xi32>
        %shift_right_logical3A_670 = arith.shrui %get3A_660, %shift_right_logical3A_669 : vector<16xi32>
        %swap3A_671 = arith.constant 48 : index
        %swap3A_672 = tpu.vector_load %arg14[%swap3A_671] {strides = array<i32>} : memref<128xi32, #tpu.memory_space<vmem>>, vector<16xi32>,
        %swap3A_673 = vector.shape_cast %swap3A_672 : vector<16xi32> to vector<16xi32>
        %swap3A_674 = vector.shape_cast %shift_right_logical3A_670 : vector<16xi32> to vector<16xi32>
        tpu.vector_store %arg14[%swap3A_671], %swap3A_674 {strides = array<i32>} : memref<128xi32, #tpu.memory_space<vmem>>, vector<16xi32>,
        %get3A_675 = arith.index_cast %add3A_602 : i32 to index
        %get3A_676 = arith.constant 64 : index
        %get3A_677 = tpu.vector_load %arg8[%get3A_675, %get3A_676] {strides = array<i32>} : memref<79x128xi32, #tpu.memory_space<vmem>>, vector<1x16xi32>,
        %get3A_678 = vector.shape_cast %get3A_677 : vector<1x16xi32> to vector<16xi32>
        %and3A_679 = arith.constant 32767 : i32
        %and3A_680 = vector.broadcast %and3A_679 : i32 to vector<16xi32>
        %and3A_681 = arith.andi %get3A_678, %and3A_680 : vector<16xi32>
        %swap3A_682 = arith.constant 64 : index
        %swap3A_683 = tpu.vector_load %arg13[%swap3A_682] {strides = array<i32>} : memref<128xi32, #tpu.memory_space<vmem>>, vector<16xi32>,
        %swap3A_684 = vector.shape_cast %swap3A_683 : vector<16xi32> to vector<16xi32>
        %swap3A_685 = vector.shape_cast %and3A_681 : vector<16xi32> to vector<16xi32>
        tpu.vector_store %arg13[%swap3A_682], %swap3A_685 {strides = array<i32>} : memref<128xi32, #tpu.memory_space<vmem>>, vector<16xi32>,
        %shift_right_logical3A_686 = arith.constant 15 : i32
        %shift_right_logical3A_687 = vector.broadcast %shift_right_logical3A_686 : i32 to vector<16xi32>
        %shift_right_logical3A_688 = arith.shrui %get3A_678, %shift_right_logical3A_687 : vector<16xi32>
        %swap3A_689 = arith.constant 64 : index
        %swap3A_690 = tpu.vector_load %arg14[%swap3A_689] {strides = array<i32>} : memref<128xi32, #tpu.memory_space<vmem>>, vector<16xi32>,
        %swap3A_691 = vector.shape_cast %swap3A_690 : vector<16xi32> to vector<16xi32>
        %swap3A_692 = vector.shape_cast %shift_right_logical3A_688 : vector<16xi32> to vector<16xi32>
        tpu.vector_store %arg14[%swap3A_689], %swap3A_692 {strides = array<i32>} : memref<128xi32, #tpu.memory_space<vmem>>, vector<16xi32>,
        %get3A_693 = arith.index_cast %add3A_602 : i32 to index
        %get3A_694 = arith.constant 80 : index
        %get3A_695 = tpu.vector_load %arg8[%get3A_693, %get3A_694] {strides = array<i32>} : memref<79x128xi32, #tpu.memory_space<vmem>>, vector<1x16xi32>,
        %get3A_696 = vector.shape_cast %get3A_695 : vector<1x16xi32> to vector<16xi32>
        %and3A_697 = arith.constant 32767 : i32
        %and3A_698 = vector.broadcast %and3A_697 : i32 to vector<16xi32>
        %and3A_699 = arith.andi %get3A_696, %and3A_698 : vector<16xi32>
        %swap3A_700 = arith.constant 80 : index
        %swap3A_701 = tpu.vector_load %arg13[%swap3A_700] {strides = array<i32>} : memref<128xi32, #tpu.memory_space<vmem>>, vector<16xi32>,
        %swap3A_702 = vector.shape_cast %swap3A_701 : vector<16xi32> to vector<16xi32>
        %swap3A_703 = vector.shape_cast %and3A_699 : vector<16xi32> to vector<16xi32>
        tpu.vector_store %arg13[%swap3A_700], %swap3A_703 {strides = array<i32>} : memref<128xi32, #tpu.memory_space<vmem>>, vector<16xi32>,
        %shift_right_logical3A_704 = arith.constant 15 : i32
        %shift_right_logical3A_705 = vector.broadcast %shift_right_logical3A_704 : i32 to vector<16xi32>
        %shift_right_logical3A_706 = arith.shrui %get3A_696, %shift_right_logical3A_705 : vector<16xi32>
        %swap3A_707 = arith.constant 80 : index
        %swap3A_708 = tpu.vector_load %arg14[%swap3A_707] {strides = array<i32>} : memref<128xi32, #tpu.memory_space<vmem>>, vector<16xi32>,
        %swap3A_709 = vector.shape_cast %swap3A_708 : vector<16xi32> to vector<16xi32>
        %swap3A_710 = vector.shape_cast %shift_right_logical3A_706 : vector<16xi32> to vector<16xi32>
        tpu.vector_store %arg14[%swap3A_707], %swap3A_710 {strides = array<i32>} : memref<128xi32, #tpu.memory_space<vmem>>, vector<16xi32>,
        %get3A_711 = arith.index_cast %add3A_602 : i32 to index
        %get3A_712 = arith.constant 96 : index
        %get3A_713 = tpu.vector_load %arg8[%get3A_711, %get3A_712] {strides = array<i32>} : memref<79x128xi32, #tpu.memory_space<vmem>>, vector<1x16xi32>,
        %get3A_714 = vector.shape_cast %get3A_713 : vector<1x16xi32> to vector<16xi32>
        %and3A_715 = arith.constant 32767 : i32
        %and3A_716 = vector.broadcast %and3A_715 : i32 to vector<16xi32>
        %and3A_717 = arith.andi %get3A_714, %and3A_716 : vector<16xi32>
        %swap3A_718 = arith.constant 96 : index
        %swap3A_719 = tpu.vector_load %arg13[%swap3A_718] {strides = array<i32>} : memref<128xi32, #tpu.memory_space<vmem>>, vector<16xi32>,
        %swap3A_720 = vector.shape_cast %swap3A_719 : vector<16xi32> to vector<16xi32>
        %swap3A_721 = vector.shape_cast %and3A_717 : vector<16xi32> to vector<16xi32>
        tpu.vector_store %arg13[%swap3A_718], %swap3A_721 {strides = array<i32>} : memref<128xi32, #tpu.memory_space<vmem>>, vector<16xi32>,
        %shift_right_logical3A_722 = arith.constant 15 : i32
        %shift_right_logical3A_723 = vector.broadcast %shift_right_logical3A_722 : i32 to vector<16xi32>
        %shift_right_logical3A_724 = arith.shrui %get3A_714, %shift_right_logical3A_723 : vector<16xi32>
        %swap3A_725 = arith.constant 96 : index
        %swap3A_726 = tpu.vector_load %arg14[%swap3A_725] {strides = array<i32>} : memref<128xi32, #tpu.memory_space<vmem>>, vector<16xi32>,
        %swap3A_727 = vector.shape_cast %swap3A_726 : vector<16xi32> to vector<16xi32>
        %swap3A_728 = vector.shape_cast %shift_right_logical3A_724 : vector<16xi32> to vector<16xi32>
        tpu.vector_store %arg14[%swap3A_725], %swap3A_728 {strides = array<i32>} : memref<128xi32, #tpu.memory_space<vmem>>, vector<16xi32>,
        %get3A_729 = arith.index_cast %add3A_602 : i32 to index
        %get3A_730 = arith.constant 112 : index
        %get3A_731 = tpu.vector_load %arg8[%get3A_729, %get3A_730] {strides = array<i32>} : memref<79x128xi32, #tpu.memory_space<vmem>>, vector<1x16xi32>,
        %get3A_732 = vector.shape_cast %get3A_731 : vector<1x16xi32> to vector<16xi32>
        %and3A_733 = arith.constant 32767 : i32
        %and3A_734 = vector.broadcast %and3A_733 : i32 to vector<16xi32>
        %and3A_735 = arith.andi %get3A_732, %and3A_734 : vector<16xi32>
        %swap3A_736 = arith.constant 112 : index
        %swap3A_737 = tpu.vector_load %arg13[%swap3A_736] {strides = array<i32>} : memref<128xi32, #tpu.memory_space<vmem>>, vector<16xi32>,
        %swap3A_738 = vector.shape_cast %swap3A_737 : vector<16xi32> to vector<16xi32>
        %swap3A_739 = vector.shape_cast %and3A_735 : vector<16xi32> to vector<16xi32>
        tpu.vector_store %arg13[%swap3A_736], %swap3A_739 {strides = array<i32>} : memref<128xi32, #tpu.memory_space<vmem>>, vector<16xi32>,
        %shift_right_logical3A_740 = arith.constant 15 : i32
        %shift_right_logical3A_741 = vector.broadcast %shift_right_logical3A_740 : i32 to vector<16xi32>
        %shift_right_logical3A_742 = arith.shrui %get3A_732, %shift_right_logical3A_741 : vector<16xi32>
        %swap3A_743 = arith.constant 112 : index
        %swap3A_744 = tpu.vector_load %arg14[%swap3A_743] {strides = array<i32>} : memref<128xi32, #tpu.memory_space<vmem>>, vector<16xi32>,
        %swap3A_745 = vector.shape_cast %swap3A_744 : vector<16xi32> to vector<16xi32>
        %swap3A_746 = vector.shape_cast %shift_right_logical3A_742 : vector<16xi32> to vector<16xi32>
        tpu.vector_store %arg14[%swap3A_743], %swap3A_746 {strides = array<i32>} : memref<128xi32, #tpu.memory_space<vmem>>, vector<16xi32>,
      } else {
      }
    }
    %scan3A_400 = arith.constant 39 : i32
    %dma_wait3A = arith.constant 0 : i32
    %dma_wait3A_401 = arith.constant 0 : i32
    %dma_wait3A_402 = tpu.memref_slice %arg2[%dma_wait3A, %dma_wait3A_401] : memref<20000x128xf32, #tpu.memory_space<hbm>> -> memref<20000x128xf32, #tpu.memory_space<hbm>>
    tpu.wait_indirect_dma semaphore(%arg16 : memref<!tpu.dma_semaphore, #tpu.memory_space<semaphore_mem>>) src(%dma_wait3A_402 : memref<20000x128xf32, #tpu.memory_space<hbm>>) dst(%arg9 : memref<128x128xf32, #tpu.memory_space<vmem>>)
    "tpu.region"() ({
      %run_scoped3A = tpu.sem_alloc : memref<!tpu.dma_semaphore, #tpu.memory_space<semaphore_mem>>
      %dma_start3A_415 = arith.constant 0 : i32
      %dma_start3A_416 = arith.constant 0 : i32
      %dma_start3A_417 = tpu.memref_slice %arg6[%dma_start3A_415, %dma_start3A_416] : memref<10240x128xf32, #tpu.memory_space<vmem_shared>> -> memref<10240x128xf32, #tpu.memory_space<vmem_shared>>
      tpu.enqueue_indirect_dma source(%arg9 : memref<128x128xf32, #tpu.memory_space<vmem>>) target(%dma_start3A_417 : memref<10240x128xf32, #tpu.memory_space<vmem_shared>>) offsets(%arg12 : memref<128xi32, #tpu.memory_space<vmem>>) semaphore(%run_scoped3A : memref<!tpu.dma_semaphore, #tpu.memory_space<semaphore_mem>>) {add = true}
      %dma_wait3A_418 = arith.constant 0 : i32
      %dma_wait3A_419 = arith.constant 0 : i32
      %dma_wait3A_420 = tpu.memref_slice %arg6[%dma_wait3A_418, %dma_wait3A_419] : memref<10240x128xf32, #tpu.memory_space<vmem_shared>> -> memref<10240x128xf32, #tpu.memory_space<vmem_shared>>
      tpu.wait_indirect_dma semaphore(%run_scoped3A : memref<!tpu.dma_semaphore, #tpu.memory_space<semaphore_mem>>) src(%arg9 : memref<128x128xf32, #tpu.memory_space<vmem>>) dst(%dma_wait3A_420 : memref<10240x128xf32, #tpu.memory_space<vmem_shared>>)
      tpu.yield
    }) : () -> ()
    %convert_element_type3A = arith.extui %eq3A_1 : i1 to i32
    %cond3A = arith.constant 0 : i32
    %cond3A_403 = arith.cmpi ne, %convert_element_type3A, %cond3A : i32
    scf.if %cond3A_403 {
      "tpu.region"() ({
        %run_scoped3A = tpu.sem_alloc : memref<!tpu.dma_semaphore, #tpu.memory_space<semaphore_mem>>
        %dma_start3A_415 = arith.constant 0 : i32
        %dma_start3A_416 = tpu.memref_slice %arg7[%dma_start3A_415] : memref<10240xf32, #tpu.memory_space<vmem_shared>> -> memref<10240xf32, #tpu.memory_space<vmem_shared>>
        tpu.enqueue_indirect_dma source(%arg15 : memref<128xf32, #tpu.memory_space<vmem>>) target(%dma_start3A_416 : memref<10240xf32, #tpu.memory_space<vmem_shared>>) offsets(%arg12 : memref<128xi32, #tpu.memory_space<vmem>>) semaphore(%run_scoped3A : memref<!tpu.dma_semaphore, #tpu.memory_space<semaphore_mem>>) {add = true}
        %dma_wait3A_417 = arith.constant 0 : i32
        %dma_wait3A_418 = tpu.memref_slice %arg7[%dma_wait3A_417] : memref<10240xf32, #tpu.memory_space<vmem_shared>> -> memref<10240xf32, #tpu.memory_space<vmem_shared>>
        tpu.wait_indirect_dma semaphore(%run_scoped3A : memref<!tpu.dma_semaphore, #tpu.memory_space<semaphore_mem>>) src(%arg15 : memref<128xf32, #tpu.memory_space<vmem>>) dst(%dma_wait3A_418 : memref<10240xf32, #tpu.memory_space<vmem_shared>>)
        tpu.yield
      }) : () -> ()
    } else {
    }
    %barrier3A_404 = arith.constant 0 : index
    tpu.barrier barrier_id(%barrier3A_404)
    %add3A_405 = arith.constant 0 : i32
    %add3A_406 = arith.addi %mul3A_0, %add3A_405 : i32
    "tpu.region"() ({
      %run_scoped3A = tpu.sem_alloc : memref<!tpu.dma_semaphore, #tpu.memory_space<semaphore_mem>>
      %dma_start3A_415 = arith.constant 0 : i32
      %dma_start3A_416 = arith.constant 0 : i32
      %dma_start3A_417 = tpu.memref_slice %arg4[%arg0, %dma_start3A_415, %dma_start3A_416] : memref<2x10240x128xf32, #tpu.memory_space<hbm>> -> memref<1x10240x128xf32, #tpu.memory_space<hbm>>
      %dma_start3A_418 = tpu.memref_squeeze %dma_start3A_417 : memref<1x10240x128xf32, #tpu.memory_space<hbm>> -> memref<10240x128xf32, #tpu.memory_space<hbm>>
      %dma_start3A_419 = arith.constant 0 : i32
      %dma_start3A_420 = tpu.memref_slice %dma_start3A_418[%add3A_406, %dma_start3A_419] : memref<10240x128xf32, #tpu.memory_space<hbm>> -> memref<128x128xf32, #tpu.memory_space<hbm>>
      %dma_start3A_421 = arith.constant 0 : i32
      %dma_start3A_422 = tpu.memref_slice %arg6[%add3A_406, %dma_start3A_421] : memref<10240x128xf32, #tpu.memory_space<vmem_shared>> -> memref<128x128xf32, #tpu.memory_space<vmem_shared>>
      tpu.enqueue_dma source(%dma_start3A_422 : memref<128x128xf32, #tpu.memory_space<vmem_shared>>) target(%dma_start3A_420 : memref<128x128xf32, #tpu.memory_space<hbm>>) target_semaphore(%run_scoped3A : memref<!tpu.dma_semaphore, #tpu.memory_space<semaphore_mem>>)
      %dma_wait3A_423 = arith.constant 0 : i32
      %dma_wait3A_424 = arith.constant 0 : i32
      %dma_wait3A_425 = tpu.memref_slice %arg4[%arg0, %dma_wait3A_423, %dma_wait3A_424] : memref<2x10240x128xf32, #tpu.memory_space<hbm>> -> memref<1x10240x128xf32, #tpu.memory_space<hbm>>
      %dma_wait3A_426 = tpu.memref_squeeze %dma_wait3A_425 : memref<1x10240x128xf32, #tpu.memory_space<hbm>> -> memref<10240x128xf32, #tpu.memory_space<hbm>>
      %dma_wait3A_427 = arith.constant 0 : i32
      %dma_wait3A_428 = tpu.memref_slice %dma_wait3A_426[%add3A_406, %dma_wait3A_427] : memref<10240x128xf32, #tpu.memory_space<hbm>> -> memref<128x128xf32, #tpu.memory_space<hbm>>
      %dma_wait3A_429 = arith.constant 0 : i32
      %dma_wait3A_430 = tpu.memref_slice %arg6[%add3A_406, %dma_wait3A_429] : memref<10240x128xf32, #tpu.memory_space<vmem_shared>> -> memref<128x128xf32, #tpu.memory_space<vmem_shared>>
      tpu.wait_dma2 semaphore(%run_scoped3A : memref<!tpu.dma_semaphore, #tpu.memory_space<semaphore_mem>>) src(%dma_wait3A_430 : memref<128x128xf32, #tpu.memory_space<vmem_shared>>) dst(%dma_wait3A_428 : memref<128x128xf32, #tpu.memory_space<hbm>>)
      tpu.yield
    }) : () -> ()
    %add3A_407 = arith.constant 128 : i32
    %add3A_408 = arith.addi %mul3A_0, %add3A_407 : i32
    "tpu.region"() ({
      %run_scoped3A = tpu.sem_alloc : memref<!tpu.dma_semaphore, #tpu.memory_space<semaphore_mem>>
      %dma_start3A_415 = arith.constant 0 : i32
      %dma_start3A_416 = arith.constant 0 : i32
      %dma_start3A_417 = tpu.memref_slice %arg4[%arg0, %dma_start3A_415, %dma_start3A_416] : memref<2x10240x128xf32, #tpu.memory_space<hbm>> -> memref<1x10240x128xf32, #tpu.memory_space<hbm>>
      %dma_start3A_418 = tpu.memref_squeeze %dma_start3A_417 : memref<1x10240x128xf32, #tpu.memory_space<hbm>> -> memref<10240x128xf32, #tpu.memory_space<hbm>>
      %dma_start3A_419 = arith.constant 0 : i32
      %dma_start3A_420 = tpu.memref_slice %dma_start3A_418[%add3A_408, %dma_start3A_419] : memref<10240x128xf32, #tpu.memory_space<hbm>> -> memref<128x128xf32, #tpu.memory_space<hbm>>
      %dma_start3A_421 = arith.constant 0 : i32
      %dma_start3A_422 = tpu.memref_slice %arg6[%add3A_408, %dma_start3A_421] : memref<10240x128xf32, #tpu.memory_space<vmem_shared>> -> memref<128x128xf32, #tpu.memory_space<vmem_shared>>
      tpu.enqueue_dma source(%dma_start3A_422 : memref<128x128xf32, #tpu.memory_space<vmem_shared>>) target(%dma_start3A_420 : memref<128x128xf32, #tpu.memory_space<hbm>>) target_semaphore(%run_scoped3A : memref<!tpu.dma_semaphore, #tpu.memory_space<semaphore_mem>>)
      %dma_wait3A_423 = arith.constant 0 : i32
      %dma_wait3A_424 = arith.constant 0 : i32
      %dma_wait3A_425 = tpu.memref_slice %arg4[%arg0, %dma_wait3A_423, %dma_wait3A_424] : memref<2x10240x128xf32, #tpu.memory_space<hbm>> -> memref<1x10240x128xf32, #tpu.memory_space<hbm>>
      %dma_wait3A_426 = tpu.memref_squeeze %dma_wait3A_425 : memref<1x10240x128xf32, #tpu.memory_space<hbm>> -> memref<10240x128xf32, #tpu.memory_space<hbm>>
      %dma_wait3A_427 = arith.constant 0 : i32
      %dma_wait3A_428 = tpu.memref_slice %dma_wait3A_426[%add3A_408, %dma_wait3A_427] : memref<10240x128xf32, #tpu.memory_space<hbm>> -> memref<128x128xf32, #tpu.memory_space<hbm>>
      %dma_wait3A_429 = arith.constant 0 : i32
      %dma_wait3A_430 = tpu.memref_slice %arg6[%add3A_408, %dma_wait3A_429] : memref<10240x128xf32, #tpu.memory_space<vmem_shared>> -> memref<128x128xf32, #tpu.memory_space<vmem_shared>>
      tpu.wait_dma2 semaphore(%run_scoped3A : memref<!tpu.dma_semaphore, #tpu.memory_space<semaphore_mem>>) src(%dma_wait3A_430 : memref<128x128xf32, #tpu.memory_space<vmem_shared>>) dst(%dma_wait3A_428 : memref<128x128xf32, #tpu.memory_space<hbm>>)
      tpu.yield
    }) : () -> ()
    %add3A_409 = arith.constant 256 : i32
    %add3A_410 = arith.addi %mul3A_0, %add3A_409 : i32
    "tpu.region"() ({
      %run_scoped3A = tpu.sem_alloc : memref<!tpu.dma_semaphore, #tpu.memory_space<semaphore_mem>>
      %dma_start3A_415 = arith.constant 0 : i32
      %dma_start3A_416 = arith.constant 0 : i32
      %dma_start3A_417 = tpu.memref_slice %arg4[%arg0, %dma_start3A_415, %dma_start3A_416] : memref<2x10240x128xf32, #tpu.memory_space<hbm>> -> memref<1x10240x128xf32, #tpu.memory_space<hbm>>
      %dma_start3A_418 = tpu.memref_squeeze %dma_start3A_417 : memref<1x10240x128xf32, #tpu.memory_space<hbm>> -> memref<10240x128xf32, #tpu.memory_space<hbm>>
      %dma_start3A_419 = arith.constant 0 : i32
      %dma_start3A_420 = tpu.memref_slice %dma_start3A_418[%add3A_410, %dma_start3A_419] : memref<10240x128xf32, #tpu.memory_space<hbm>> -> memref<128x128xf32, #tpu.memory_space<hbm>>
      %dma_start3A_421 = arith.constant 0 : i32
      %dma_start3A_422 = tpu.memref_slice %arg6[%add3A_410, %dma_start3A_421] : memref<10240x128xf32, #tpu.memory_space<vmem_shared>> -> memref<128x128xf32, #tpu.memory_space<vmem_shared>>
      tpu.enqueue_dma source(%dma_start3A_422 : memref<128x128xf32, #tpu.memory_space<vmem_shared>>) target(%dma_start3A_420 : memref<128x128xf32, #tpu.memory_space<hbm>>) target_semaphore(%run_scoped3A : memref<!tpu.dma_semaphore, #tpu.memory_space<semaphore_mem>>)
      %dma_wait3A_423 = arith.constant 0 : i32
      %dma_wait3A_424 = arith.constant 0 : i32
      %dma_wait3A_425 = tpu.memref_slice %arg4[%arg0, %dma_wait3A_423, %dma_wait3A_424] : memref<2x10240x128xf32, #tpu.memory_space<hbm>> -> memref<1x10240x128xf32, #tpu.memory_space<hbm>>
      %dma_wait3A_426 = tpu.memref_squeeze %dma_wait3A_425 : memref<1x10240x128xf32, #tpu.memory_space<hbm>> -> memref<10240x128xf32, #tpu.memory_space<hbm>>
      %dma_wait3A_427 = arith.constant 0 : i32
      %dma_wait3A_428 = tpu.memref_slice %dma_wait3A_426[%add3A_410, %dma_wait3A_427] : memref<10240x128xf32, #tpu.memory_space<hbm>> -> memref<128x128xf32, #tpu.memory_space<hbm>>
      %dma_wait3A_429 = arith.constant 0 : i32
      %dma_wait3A_430 = tpu.memref_slice %arg6[%add3A_410, %dma_wait3A_429] : memref<10240x128xf32, #tpu.memory_space<vmem_shared>> -> memref<128x128xf32, #tpu.memory_space<vmem_shared>>
      tpu.wait_dma2 semaphore(%run_scoped3A : memref<!tpu.dma_semaphore, #tpu.memory_space<semaphore_mem>>) src(%dma_wait3A_430 : memref<128x128xf32, #tpu.memory_space<vmem_shared>>) dst(%dma_wait3A_428 : memref<128x128xf32, #tpu.memory_space<hbm>>)
      tpu.yield
    }) : () -> ()
    %add3A_411 = arith.constant 384 : i32
    %add3A_412 = arith.addi %mul3A_0, %add3A_411 : i32
    "tpu.region"() ({
      %run_scoped3A = tpu.sem_alloc : memref<!tpu.dma_semaphore, #tpu.memory_space<semaphore_mem>>
      %dma_start3A_415 = arith.constant 0 : i32
      %dma_start3A_416 = arith.constant 0 : i32
      %dma_start3A_417 = tpu.memref_slice %arg4[%arg0, %dma_start3A_415, %dma_start3A_416] : memref<2x10240x128xf32, #tpu.memory_space<hbm>> -> memref<1x10240x128xf32, #tpu.memory_space<hbm>>
      %dma_start3A_418 = tpu.memref_squeeze %dma_start3A_417 : memref<1x10240x128xf32, #tpu.memory_space<hbm>> -> memref<10240x128xf32, #tpu.memory_space<hbm>>
      %dma_start3A_419 = arith.constant 0 : i32
      %dma_start3A_420 = tpu.memref_slice %dma_start3A_418[%add3A_412, %dma_start3A_419] : memref<10240x128xf32, #tpu.memory_space<hbm>> -> memref<128x128xf32, #tpu.memory_space<hbm>>
      %dma_start3A_421 = arith.constant 0 : i32
      %dma_start3A_422 = tpu.memref_slice %arg6[%add3A_412, %dma_start3A_421] : memref<10240x128xf32, #tpu.memory_space<vmem_shared>> -> memref<128x128xf32, #tpu.memory_space<vmem_shared>>
      tpu.enqueue_dma source(%dma_start3A_422 : memref<128x128xf32, #tpu.memory_space<vmem_shared>>) target(%dma_start3A_420 : memref<128x128xf32, #tpu.memory_space<hbm>>) target_semaphore(%run_scoped3A : memref<!tpu.dma_semaphore, #tpu.memory_space<semaphore_mem>>)
      %dma_wait3A_423 = arith.constant 0 : i32
      %dma_wait3A_424 = arith.constant 0 : i32
      %dma_wait3A_425 = tpu.memref_slice %arg4[%arg0, %dma_wait3A_423, %dma_wait3A_424] : memref<2x10240x128xf32, #tpu.memory_space<hbm>> -> memref<1x10240x128xf32, #tpu.memory_space<hbm>>
      %dma_wait3A_426 = tpu.memref_squeeze %dma_wait3A_425 : memref<1x10240x128xf32, #tpu.memory_space<hbm>> -> memref<10240x128xf32, #tpu.memory_space<hbm>>
      %dma_wait3A_427 = arith.constant 0 : i32
      %dma_wait3A_428 = tpu.memref_slice %dma_wait3A_426[%add3A_412, %dma_wait3A_427] : memref<10240x128xf32, #tpu.memory_space<hbm>> -> memref<128x128xf32, #tpu.memory_space<hbm>>
      %dma_wait3A_429 = arith.constant 0 : i32
      %dma_wait3A_430 = tpu.memref_slice %arg6[%add3A_412, %dma_wait3A_429] : memref<10240x128xf32, #tpu.memory_space<vmem_shared>> -> memref<128x128xf32, #tpu.memory_space<vmem_shared>>
      tpu.wait_dma2 semaphore(%run_scoped3A : memref<!tpu.dma_semaphore, #tpu.memory_space<semaphore_mem>>) src(%dma_wait3A_430 : memref<128x128xf32, #tpu.memory_space<vmem_shared>>) dst(%dma_wait3A_428 : memref<128x128xf32, #tpu.memory_space<hbm>>)
      tpu.yield
    }) : () -> ()
    %add3A_413 = arith.constant 512 : i32
    %add3A_414 = arith.addi %mul3A_0, %add3A_413 : i32
    "tpu.region"() ({
      %run_scoped3A = tpu.sem_alloc : memref<!tpu.dma_semaphore, #tpu.memory_space<semaphore_mem>>
      %dma_start3A_415 = arith.constant 0 : i32
      %dma_start3A_416 = arith.constant 0 : i32
      %dma_start3A_417 = tpu.memref_slice %arg4[%arg0, %dma_start3A_415, %dma_start3A_416] : memref<2x10240x128xf32, #tpu.memory_space<hbm>> -> memref<1x10240x128xf32, #tpu.memory_space<hbm>>
      %dma_start3A_418 = tpu.memref_squeeze %dma_start3A_417 : memref<1x10240x128xf32, #tpu.memory_space<hbm>> -> memref<10240x128xf32, #tpu.memory_space<hbm>>
      %dma_start3A_419 = arith.constant 0 : i32
      %dma_start3A_420 = tpu.memref_slice %dma_start3A_418[%add3A_414, %dma_start3A_419] : memref<10240x128xf32, #tpu.memory_space<hbm>> -> memref<128x128xf32, #tpu.memory_space<hbm>>
      %dma_start3A_421 = arith.constant 0 : i32
      %dma_start3A_422 = tpu.memref_slice %arg6[%add3A_414, %dma_start3A_421] : memref<10240x128xf32, #tpu.memory_space<vmem_shared>> -> memref<128x128xf32, #tpu.memory_space<vmem_shared>>
      tpu.enqueue_dma source(%dma_start3A_422 : memref<128x128xf32, #tpu.memory_space<vmem_shared>>) target(%dma_start3A_420 : memref<128x128xf32, #tpu.memory_space<hbm>>) target_semaphore(%run_scoped3A : memref<!tpu.dma_semaphore, #tpu.memory_space<semaphore_mem>>)
      %dma_wait3A_423 = arith.constant 0 : i32
      %dma_wait3A_424 = arith.constant 0 : i32
      %dma_wait3A_425 = tpu.memref_slice %arg4[%arg0, %dma_wait3A_423, %dma_wait3A_424] : memref<2x10240x128xf32, #tpu.memory_space<hbm>> -> memref<1x10240x128xf32, #tpu.memory_space<hbm>>
      %dma_wait3A_426 = tpu.memref_squeeze %dma_wait3A_425 : memref<1x10240x128xf32, #tpu.memory_space<hbm>> -> memref<10240x128xf32, #tpu.memory_space<hbm>>
      %dma_wait3A_427 = arith.constant 0 : i32
      %dma_wait3A_428 = tpu.memref_slice %dma_wait3A_426[%add3A_414, %dma_wait3A_427] : memref<10240x128xf32, #tpu.memory_space<hbm>> -> memref<128x128xf32, #tpu.memory_space<hbm>>
      %dma_wait3A_429 = arith.constant 0 : i32
      %dma_wait3A_430 = tpu.memref_slice %arg6[%add3A_414, %dma_wait3A_429] : memref<10240x128xf32, #tpu.memory_space<vmem_shared>> -> memref<128x128xf32, #tpu.memory_space<vmem_shared>>
      tpu.wait_dma2 semaphore(%run_scoped3A : memref<!tpu.dma_semaphore, #tpu.memory_space<semaphore_mem>>) src(%dma_wait3A_430 : memref<128x128xf32, #tpu.memory_space<vmem_shared>>) dst(%dma_wait3A_428 : memref<128x128xf32, #tpu.memory_space<hbm>>)
      tpu.yield
    }) : () -> ()
    "tpu.region"() ({
      %run_scoped3A = tpu.sem_alloc : memref<!tpu.dma_semaphore, #tpu.memory_space<semaphore_mem>>
      %dma_start3A_415 = arith.constant 0 : i32
      %dma_start3A_416 = tpu.memref_slice %arg5[%arg0, %dma_start3A_415] : memref<2x10240xf32, #tpu.memory_space<hbm>> -> memref<1x10240xf32, #tpu.memory_space<hbm>>
      %dma_start3A_417 = tpu.memref_squeeze %dma_start3A_416 : memref<1x10240xf32, #tpu.memory_space<hbm>> -> memref<10240xf32, #tpu.memory_space<hbm>>
      %dma_start3A_418 = tpu.memref_slice %dma_start3A_417[%mul3A_0] : memref<10240xf32, #tpu.memory_space<hbm>> -> memref<640xf32, #tpu.memory_space<hbm>>
      %dma_start3A_419 = tpu.memref_slice %arg7[%mul3A_0] : memref<10240xf32, #tpu.memory_space<vmem_shared>> -> memref<640xf32, #tpu.memory_space<vmem_shared>>
      tpu.enqueue_dma source(%dma_start3A_419 : memref<640xf32, #tpu.memory_space<vmem_shared>>) target(%dma_start3A_418 : memref<640xf32, #tpu.memory_space<hbm>>) target_semaphore(%run_scoped3A : memref<!tpu.dma_semaphore, #tpu.memory_space<semaphore_mem>>)
      %dma_wait3A_420 = arith.constant 0 : i32
      %dma_wait3A_421 = tpu.memref_slice %arg5[%arg0, %dma_wait3A_420] : memref<2x10240xf32, #tpu.memory_space<hbm>> -> memref<1x10240xf32, #tpu.memory_space<hbm>>
      %dma_wait3A_422 = tpu.memref_squeeze %dma_wait3A_421 : memref<1x10240xf32, #tpu.memory_space<hbm>> -> memref<10240xf32, #tpu.memory_space<hbm>>
      %dma_wait3A_423 = tpu.memref_slice %dma_wait3A_422[%mul3A_0] : memref<10240xf32, #tpu.memory_space<hbm>> -> memref<640xf32, #tpu.memory_space<hbm>>
      %dma_wait3A_424 = tpu.memref_slice %arg7[%mul3A_0] : memref<10240xf32, #tpu.memory_space<vmem_shared>> -> memref<640xf32, #tpu.memory_space<vmem_shared>>
      tpu.wait_dma2 semaphore(%run_scoped3A : memref<!tpu.dma_semaphore, #tpu.memory_space<semaphore_mem>>) src(%dma_wait3A_424 : memref<640xf32, #tpu.memory_space<vmem_shared>>) dst(%dma_wait3A_423 : memref<640xf32, #tpu.memory_space<hbm>>)
      tpu.yield
    }) : () -> ()
    return
  }
}

module attributes {stable_mosaic.version = 14 : i64} {
  func.func @_mm_body(%arg0: i32, %arg1: i32, %arg2: memref<1000x256xf32, #tpu.memory_space<vmem>>, %arg3: memref<128x256xf32, #tpu.memory_space<vmem>>, %arg4: memref<2x1x1x10000xi32, #tpu.memory_space<vmem>>, %arg5: memref<1x1000x128xf32, #tpu.memory_space<vmem>>, %arg6: memref<1x2x10112xi32, #tpu.memory_space<vmem>>) attributes {dimension_semantics = [#tpu.dimension_semantics<arbitrary>, #tpu.dimension_semantics<arbitrary>], iteration_bounds = array<i64: 2, 10>, scalar_prefetch = 0 : i64, scratch_operands = 0 : i64, tpu.core_type = #tpu.core_type<tc>, window_params = [{transform_indices = @transform_0, window_bounds = array<i64: 1000, 256>}, {transform_indices = @transform_1, window_bounds = array<i64: 128, 256>}, {transform_indices = @transform_2, window_bounds = array<i64: 2, 1, 1, 10000>}, {transform_indices = @transform_3, window_bounds = array<i64: 1, 1000, 128>}, {transform_indices = @transform_4, window_bounds = array<i64: 1, 2, 10112>}]} {
    %get3A = arith.constant 0 : index
    %get3A_0 = arith.constant 0 : index
    %get3A_1 = vector.load %arg2[%get3A, %get3A_0] : memref<1000x256xf32, #tpu.memory_space<vmem>>, vector<1000x256xf32>
    %get3A_2 = arith.constant 0 : index
    %get3A_3 = arith.constant 0 : index
    %get3A_4 = vector.load %arg3[%get3A_2, %get3A_3] : memref<128x256xf32, #tpu.memory_space<vmem>>, vector<128x256xf32>
    %dot_general3A = arith.constant dense<0.000000e+00> : vector<1000x128xf32>
    %dot_general3A_5 = tpu.matmul %get3A_1, %get3A_4, %dot_general3A {dimension_numbers = #tpu.dot_dimension_numbers<[1], [1], [0], [0], [0, 0, 1, 0], [], []>, transpose_lhs_hint = false} : vector<1000x256xf32>, vector<128x256xf32>, vector<1000x128xf32> -> vector<1000x128xf32>
    %swap3A = arith.constant 0 : index
    %swap3A_6 = arith.constant 0 : index
    %swap3A_7 = arith.constant 0 : index
    %swap3A_8 = vector.load %arg5[%swap3A, %swap3A_6, %swap3A_7] : memref<1x1000x128xf32, #tpu.memory_space<vmem>>, vector<1x1000x128xf32>
    %swap3A_9 = vector.shape_cast %swap3A_8 : vector<1x1000x128xf32> to vector<1000x128xf32>
    %swap3A_10 = vector.shape_cast %dot_general3A_5 : vector<1000x128xf32> to vector<1x1000x128xf32>
    tpu.vector_store %arg5[%swap3A, %swap3A_6, %swap3A_7], %swap3A_10 {strides = array<i32>} : memref<1x1000x128xf32, #tpu.memory_space<vmem>>, vector<1x1000x128xf32>,
    %get3A_11 = arith.constant 0 : index
    %get3A_12 = arith.constant 0 : index
    %get3A_13 = arith.constant 0 : index
    %get3A_14 = arith.constant 0 : index
    %get3A_15 = vector.load %arg4[%get3A_11, %get3A_12, %get3A_13, %get3A_14] : memref<2x1x1x10000xi32, #tpu.memory_space<vmem>>, vector<1x1x1x10000xi32>
    %get3A_16 = vector.shape_cast %get3A_15 : vector<1x1x1x10000xi32> to vector<10000xi32>
    %broadcast_in_dim3A = arith.constant 10236 : i32
    %broadcast_in_dim3A_17 = vector.broadcast %broadcast_in_dim3A : i32 to vector<112xi32>
    %concatenate3A = tpu.concatenate %get3A_16, %broadcast_in_dim3A_17 in 0 : vector<10000xi32>, vector<112xi32> -> vector<10112xi32>
    %get3A_18 = arith.constant 1 : index
    %get3A_19 = arith.constant 0 : index
    %get3A_20 = arith.constant 0 : index
    %get3A_21 = arith.constant 0 : index
    %get3A_22 = vector.load %arg4[%get3A_18, %get3A_19, %get3A_20, %get3A_21] : memref<2x1x1x10000xi32, #tpu.memory_space<vmem>>, vector<1x1x1x10000xi32>
    %get3A_23 = vector.shape_cast %get3A_22 : vector<1x1x1x10000xi32> to vector<10000xi32>
    %broadcast_in_dim3A_24 = arith.constant 0 : i32
    %broadcast_in_dim3A_25 = vector.broadcast %broadcast_in_dim3A_24 : i32 to vector<112xi32>
    %concatenate3A_26 = tpu.concatenate %get3A_23, %broadcast_in_dim3A_25 in 0 : vector<10000xi32>, vector<112xi32> -> vector<10112xi32>
    %shift_left3A = arith.constant 15 : i32
    %shift_left3A_27 = vector.broadcast %shift_left3A : i32 to vector<10112xi32>
    %shift_left3A_28 = arith.shli %concatenate3A, %shift_left3A_27 : vector<10112xi32>
    %or3A = arith.ori %concatenate3A_26, %shift_left3A_28 : vector<10112xi32>
    %swap3A_29 = arith.constant 0 : index
    %swap3A_30 = arith.constant 0 : index
    %swap3A_31 = arith.constant 0 : index
    %swap3A_32 = vector.load %arg6[%swap3A_29, %swap3A_30, %swap3A_31] : memref<1x2x10112xi32, #tpu.memory_space<vmem>>, vector<1x1x10112xi32>
    %swap3A_33 = vector.shape_cast %swap3A_32 : vector<1x1x10112xi32> to vector<10112xi32>
    %swap3A_34 = vector.shape_cast %or3A : vector<10112xi32> to vector<1x1x10112xi32>
    tpu.vector_store %arg6[%swap3A_29, %swap3A_30, %swap3A_31], %swap3A_34 {strides = array<i32>} : memref<1x2x10112xi32, #tpu.memory_space<vmem>>, vector<1x1x10112xi32>,
    %add3A = arith.constant 10000 : i32
    %add3A_35 = vector.broadcast %add3A : i32 to vector<10112xi32>
    %add3A_36 = arith.addi %concatenate3A_26, %add3A_35 : vector<10112xi32>
    %or3A_37 = arith.ori %add3A_36, %shift_left3A_28 : vector<10112xi32>
    %swap3A_38 = arith.constant 0 : index
    %swap3A_39 = arith.constant 1 : index
    %swap3A_40 = arith.constant 0 : index
    %swap3A_41 = vector.load %arg6[%swap3A_38, %swap3A_39, %swap3A_40] : memref<1x2x10112xi32, #tpu.memory_space<vmem>>, vector<1x1x10112xi32>
    %swap3A_42 = vector.shape_cast %swap3A_41 : vector<1x1x10112xi32> to vector<10112xi32>
    %swap3A_43 = vector.shape_cast %or3A_37 : vector<10112xi32> to vector<1x1x10112xi32>
    tpu.vector_store %arg6[%swap3A_38, %swap3A_39, %swap3A_40], %swap3A_43 {strides = array<i32>} : memref<1x2x10112xi32, #tpu.memory_space<vmem>>, vector<1x1x10112xi32>,
    return
  }
  func.func @transform_0(%arg0: i32, %arg1: i32) -> (i32, i32) {
    %c0_i32 = arith.constant 0 : i32
    %c0_i32_0 = arith.constant 0 : i32
    return %arg1, %c0_i32 : i32, i32
  }
  func.func @transform_1(%arg0: i32, %arg1: i32) -> (i32, i32) {
    %c0_i32 = arith.constant 0 : i32
    %c0_i32_0 = arith.constant 0 : i32
    return %arg0, %c0_i32 : i32, i32
  }
  func.func @transform_2(%arg0: i32, %arg1: i32) -> (i32, i32, i32, i32) {
    %mul3A = arith.constant 8 : i32
    %mul3A_0 = arith.muli %arg0, %mul3A : i32
    %add3A = arith.addi %mul3A_0, %arg1 : i32
    %min3A = arith.constant 15 : i32
    %min3A_1 = arith.minsi %add3A, %min3A : i32
    %c0_i32 = arith.constant 0 : i32
    %c0_i32_2 = arith.constant 0 : i32
    %c0_i32_3 = arith.constant 0 : i32
    %c0_i32_4 = arith.constant 0 : i32
    return %c0_i32, %min3A_1, %c0_i32_2, %c0_i32_3 : i32, i32, i32, i32
  }
  func.func @transform_3(%arg0: i32, %arg1: i32) -> (i32, i32, i32) {
    %c0_i32 = arith.constant 0 : i32
    %c0_i32_0 = arith.constant 0 : i32
    return %arg0, %arg1, %c0_i32 : i32, i32, i32
  }
  func.func @transform_4(%arg0: i32, %arg1: i32) -> (i32, i32, i32) {
    %mul3A = arith.constant 8 : i32
    %mul3A_0 = arith.muli %arg0, %mul3A : i32
    %add3A = arith.addi %mul3A_0, %arg1 : i32
    %min3A = arith.constant 15 : i32
    %min3A_1 = arith.minsi %add3A, %min3A : i32
    %c0_i32 = arith.constant 0 : i32
    %c0_i32_2 = arith.constant 0 : i32
    %c0_i32_3 = arith.constant 0 : i32
    return %min3A_1, %c0_i32, %c0_i32_2 : i32, i32, i32
  }
}

module attributes {stable_mosaic.version = 14 : i64} {
  func.func @_finish_body(%arg0: i32, %arg1: memref<2x1000x128xf32, #tpu.memory_space<vmem>>, %arg2: memref<1000x1xf32, #tpu.memory_space<vmem>>, %arg3: memref<1000x1xf32, #tpu.memory_space<vmem>>, %arg4: memref<1x256xf32, #tpu.memory_space<vmem>>, %arg5: memref<1000x256xf32, #tpu.memory_space<vmem>>) attributes {dimension_semantics = [#tpu.dimension_semantics<arbitrary>], iteration_bounds = array<i64: 10>, scalar_prefetch = 0 : i64, scratch_operands = 0 : i64, tpu.core_type = #tpu.core_type<tc>, window_params = [{transform_indices = @transform_0, window_bounds = array<i64: 2, 1000, 128>}, {transform_indices = @transform_1, window_bounds = array<i64: 1000, 1>}, {transform_indices = @transform_2, window_bounds = array<i64: 1000, 1>}, {pipeline_mode = #tpu.pipeline_mode<synchronous>, transform_indices = @transform_3, window_bounds = array<i64: 1, 256>}, {transform_indices = @transform_4, window_bounds = array<i64: 1000, 256>}]} {
    %get3A = arith.constant 0 : index
    %get3A_0 = arith.constant 0 : index
    %get3A_1 = vector.load %arg2[%get3A, %get3A_0] : memref<1000x1xf32, #tpu.memory_space<vmem>>, vector<1000x1xf32>
    %get3A_2 = arith.constant 0 : index
    %get3A_3 = arith.constant 0 : index
    %get3A_4 = vector.load %arg3[%get3A_2, %get3A_3] : memref<1000x1xf32, #tpu.memory_space<vmem>>, vector<1000x1xf32>
    %add3A = arith.addf %get3A_1, %get3A_4 : vector<1000x1xf32>
    %max3A = arith.constant 1.000000e+00 : f32
    %max3A_5 = vector.broadcast %max3A : f32 to vector<1000x1xf32>
    %max3A_6 = arith.maximumf %add3A, %max3A_5 : vector<1000x1xf32>
    %get3A_7 = arith.constant 0 : index
    %get3A_8 = arith.constant 0 : index
    %get3A_9 = arith.constant 0 : index
    %get3A_10 = vector.load %arg1[%get3A_7, %get3A_8, %get3A_9] : memref<2x1000x128xf32, #tpu.memory_space<vmem>>, vector<1x1000x128xf32>
    %get3A_11 = vector.shape_cast %get3A_10 : vector<1x1000x128xf32> to vector<1000x128xf32>
    %div3A = vector.broadcast %max3A_6 : vector<1000x1xf32> to vector<1000x128xf32>
    %div3A_12 = arith.divf %get3A_11, %div3A : vector<1000x128xf32>
    %get3A_13 = arith.constant 0 : index
    %get3A_14 = arith.constant 0 : index
    %get3A_15 = vector.load %arg4[%get3A_13, %get3A_14] : memref<1x256xf32, #tpu.memory_space<vmem>>, vector<1x128xf32>
    %get3A_16 = vector.shape_cast %get3A_15 : vector<1x128xf32> to vector<128xf32>
    %broadcast_in_dim3A = vector.shape_cast %get3A_16 : vector<128xf32> to vector<1x128xf32>
    %add3A_17 = vector.broadcast %broadcast_in_dim3A : vector<1x128xf32> to vector<1000x128xf32>
    %add3A_18 = arith.addf %div3A_12, %add3A_17 : vector<1000x128xf32>
    %swap3A = arith.constant 0 : index
    %swap3A_19 = arith.constant 0 : index
    %swap3A_20 = vector.load %arg5[%swap3A, %swap3A_19] : memref<1000x256xf32, #tpu.memory_space<vmem>>, vector<1000x128xf32>
    tpu.vector_store %arg5[%swap3A, %swap3A_19], %add3A_18 {strides = array<i32>} : memref<1000x256xf32, #tpu.memory_space<vmem>>, vector<1000x128xf32>,
    %get3A_21 = arith.constant 1 : index
    %get3A_22 = arith.constant 0 : index
    %get3A_23 = arith.constant 0 : index
    %get3A_24 = vector.load %arg1[%get3A_21, %get3A_22, %get3A_23] : memref<2x1000x128xf32, #tpu.memory_space<vmem>>, vector<1x1000x128xf32>
    %get3A_25 = vector.shape_cast %get3A_24 : vector<1x1000x128xf32> to vector<1000x128xf32>
    %div3A_26 = vector.broadcast %max3A_6 : vector<1000x1xf32> to vector<1000x128xf32>
    %div3A_27 = arith.divf %get3A_25, %div3A_26 : vector<1000x128xf32>
    %get3A_28 = arith.constant 0 : index
    %get3A_29 = arith.constant 128 : index
    %get3A_30 = vector.load %arg4[%get3A_28, %get3A_29] : memref<1x256xf32, #tpu.memory_space<vmem>>, vector<1x128xf32>
    %get3A_31 = vector.shape_cast %get3A_30 : vector<1x128xf32> to vector<128xf32>
    %broadcast_in_dim3A_32 = vector.shape_cast %get3A_31 : vector<128xf32> to vector<1x128xf32>
    %add3A_33 = vector.broadcast %broadcast_in_dim3A_32 : vector<1x128xf32> to vector<1000x128xf32>
    %add3A_34 = arith.addf %div3A_27, %add3A_33 : vector<1000x128xf32>
    %swap3A_35 = arith.constant 0 : index
    %swap3A_36 = arith.constant 128 : index
    %swap3A_37 = vector.load %arg5[%swap3A_35, %swap3A_36] : memref<1000x256xf32, #tpu.memory_space<vmem>>, vector<1000x128xf32>
    tpu.vector_store %arg5[%swap3A_35, %swap3A_36], %add3A_34 {strides = array<i32>} : memref<1000x256xf32, #tpu.memory_space<vmem>>, vector<1000x128xf32>,
    return
  }
  func.func @transform_0(%arg0: i32) -> (i32, i32, i32) {
    %c0_i32 = arith.constant 0 : i32
    %c0_i32_0 = arith.constant 0 : i32
    %c0_i32_1 = arith.constant 0 : i32
    return %c0_i32, %arg0, %c0_i32_0 : i32, i32, i32
  }
  func.func @transform_1(%arg0: i32) -> (i32, i32) {
    %c0_i32 = arith.constant 0 : i32
    %c0_i32_0 = arith.constant 0 : i32
    return %arg0, %c0_i32 : i32, i32
  }
  func.func @transform_2(%arg0: i32) -> (i32, i32) {
    %c0_i32 = arith.constant 0 : i32
    %c0_i32_0 = arith.constant 0 : i32
    return %arg0, %c0_i32 : i32, i32
  }
  func.func @transform_3(%arg0: i32) -> (i32, i32) {
    %c0_i32 = arith.constant 0 : i32
    %c0_i32_0 = arith.constant 0 : i32
    %c0_i32_1 = arith.constant 0 : i32
    return %c0_i32, %c0_i32_0 : i32, i32
  }
  func.func @transform_4(%arg0: i32) -> (i32, i32) {
    %c0_i32 = arith.constant 0 : i32
    %c0_i32_0 = arith.constant 0 : i32
    return %arg0, %c0_i32 : i32, i32
  }
}

</mosaic_0001>

<sc_bundles>
// kernel: kernel.5.cloned.1.call-start
scs
__scs_entry_jumppad:
0x0: {  	(pc) =	sbr.rel $0x88, $3  }
0x1: {  	(tag) =	ssettag $0x0;
	lr =	simm.s32 $0x1  }
0x2: {  	[smem:$0x3F9D] =	sst lr;
	_ =	strace $0xD0000000  }
0x3: {  	_ = 	snop  }
0x4: {  	_ = 	snop  }
0x5: {  	_ = 	snop  }
0x6: {  	_ = 	snop  }
0x7: {  	_ = 	snop  }
__scs_overlays_trampoline_lowered:
0x8: {  	[smem:$0x3FAC] =	sst s0  }
0x9: {  	[smem:$0x3FAD] =	sst s1  }
0xa: {  	[smem:$0x3FAE] =	sst s2  }
0xb: {  	[smem:$0x3FAF] =	sst s3  }
0xc: {  	[smem:$0x3FB0] =	sst s4  }
0xd: {  	[smem:$0x3FB1] =	sst s5  }
0xe: {  	[smem:$0x3FB2] =	sst s6  }
0xf: {  	[smem:$0x3FB3] =	sst s7  }
0x10: {  	[smem:$0x3FB4] =	sst s8  }
0x11: {  	[smem:$0x3FB5] =	sst s9;
	s0 =	simm.s32 @!p0 $0x0  }
0x12: {  	s1 =	sld [smem:$0x3F9B];
	s0 =	simm.s32 @p0 $0x1  }
0x13: {  	[smem:$0x3FB6] =	sst s0;
	s0 =	simm.s32 @!p1 $0x0  }
0x14: {  	s2 =	sld [smem:$0x3F9A];
	s0 =	simm.s32 @p1 $0x1  }
0x15: {  	[smem:$0x3FB7] =	sst s0;
	s0 =	simm.s32 @!p2 $0x0  }
0x16: {  	s3 =	sld [smem:$0x3FDB];
	s0 =	simm.s32 @p2 $0x1  }
0x17: {  	s4 =	simm.s32 $0x1BF5;
	[smem:$0x3FB9] =	sst s0  }
0x18: {  	s0 =	sld [smem:$0x3F9C];
	_ =	swait.ge [sflag:s4], $0x0  }
0x19: {  	s7 =	sld [smem:$0x3F9D]  }
0x1a: {  	s8 =	sadd.s32 $0xFFFFE003, lr  }
0x1b: {  	s9 =	sadd.s32 $0xFFFFFEF7, lr;
	s5 =	simm.s32 $0xFFFFFFFF;
	p2 =	slt.u32 s8, $0xFFFFF086  }
0x1c: {  	p1 =	slt.u32 s9, $0xF7A;
	s5 =	simm.s32 @!p2 $0x0  }
0x1d: {  	s5 =	simm.s32 @p1 $0x1;
	p0 =	seq.s32 s7, s2  }
0x1e: {  	s7 =	smul.u32 @!p0 $0xF7A, s2;
	p2 =	seq.s32 @!p0 s5, $0x0  }
0x1f: {  	s9 =	smul.u32 $0xF7A, s1;
	s8 =	simm.s32 @!p0 $0x1BF5;
	p2 =	por !p2, p0  }
0x20: {  	[sflag:s8] =	ssyncset.s32 @!p0 $0xFFFFF086;
	s6 =	sadd.s32 @!p0 s3, s7;
	s7 =	simm.s32 @!p0 $0x108  }
0x21: {  	s3 =	sadd.s32 s3, s9;
	s6 =	sadd.s32 @!p0 $0x88, s6;
	s7 =	simm.s32 @p2 $0x1082  }
0x22: {  	[simem:s7], [sflag:s8] =	dma.local @!p0 [hbm:s6], $0xF7A  }
0x23: {  	s9 =	sor.u32 $0xD0000000, s2;
	s6 =	simm.s32 $0x108;
	_ =	swait.ge @!p0 [sflag:s8], $0x0  }
0x24: {  	s3 =	sadd.s32 $0x88, s3;
	s6 =	simm.s32 @!p1 $0x1082;
	[sflag:s4] =	ssyncset.s32 $0xFFFFF086  }
0x25: {  	[simem:s6], [sflag:s4] =	dma.local [hbm:s3], $0xF7A  }
0x26: {  	[smem:$0x3F9D] =	sst s1;
	(tag) =	ssettag s2;
	_ =	strace s9  }
0x27: {  	s1 =	sld [smem:$0x3FAD]  }
0x28: {  	s2 =	sld [smem:$0x3FAE]  }
0x29: {  	s4 =	sld [smem:$0x3FB0]  }
0x2a: {  	p0 =	seq.s32 s5, $0x0;
	s5 =	sld [smem:$0x3FB1]  }
0x2b: {  	s6 =	sld [smem:$0x3FB2]  }
0x2c: {  	s7 =	sld [smem:$0x3FB3]  }
0x2d: {  	s3 =	simm.s32 $0x108;
	s8 =	sld [smem:$0x3FB4]  }
0x2e: {  	s3 =	simm.s32 @!p0 $0x1082;
	s9 =	sld [smem:$0x3FB5]  }
0x2f: {  	lr =	sadd.s32 s0, s3;
	s0 =	sld [smem:$0x3FAC]  }
0x30: {  	s3 =	sld [smem:$0x3FAF]  }
0x31: {  	[smem:$0x3FB8] =	sst s10  }
0x32: {  	s10 =	sld [smem:$0x3FB6];
	_ =	sdelay $0x3  }
0x33: {  	p0 =	seq.s32 s10, $0x1;
	s10 =	sld [smem:$0x3FB8];
	_ =	sdelay $0x3  }
0x34: {  	[smem:$0x3FB8] =	sst s10  }
0x35: {  	s10 =	sld [smem:$0x3FB7];
	_ =	sdelay $0x3  }
0x36: {  	p1 =	seq.s32 s10, $0x1;
	s10 =	sld [smem:$0x3FB8];
	_ =	sdelay $0x3  }
0x37: {  	[smem:$0x3FB8] =	sst s10  }
0x38: {  	s10 =	sld [smem:$0x3FB9]  }
0x39: {  	_ = 	snop;
	(pc) =	sbr.ind lr, $3  }
0x3a: {  	_ = 	snop  }
0x3b: {  	_ = 	snop  }
0x3c: {  	p2 =	seq.s32 s10, $0x1;
	s10 =	sld [smem:$0x3FB8]  }
0x3d: {  	_ =	shalt  }
0x3e: {  	_ =	shalt  }
0x3f: {  	_ =	shalt  }
0x40: {  	_ =	shalt  }
0x41: {  	_ =	shalt  }
0x42: {  	_ =	shalt  }
0x43: {  	_ =	shalt  }
0x44: {  	_ =	shalt  }
0x45: {  	_ =	shalt  }
0x46: {  	_ =	shalt  }
0x47: {  	_ =	shalt  }
0x48: {  	_ =	shalt  }
0x49: {  	_ =	shalt  }
0x4a: {  	_ =	shalt  }
0x4b: {  	_ =	shalt  }
0x4c: {  	_ =	shalt  }
0x4d: {  	_ =	shalt  }
0x4e: {  	_ =	shalt  }
0x4f: {  	_ =	shalt  }
0x50: {  	_ =	shalt  }
0x51: {  	_ =	shalt  }
0x52: {  	_ =	shalt  }
0x53: {  	_ =	shalt  }
0x54: {  	_ =	shalt  }
0x55: {  	_ =	shalt  }
0x56: {  	_ =	shalt  }
0x57: {  	_ =	shalt  }
0x58: {  	_ =	shalt  }
0x59: {  	_ =	shalt  }
0x5a: {  	_ =	shalt  }
0x5b: {  	_ =	shalt  }
0x5c: {  	_ =	shalt  }
0x5d: {  	_ =	shalt  }
0x5e: {  	_ =	shalt  }
0x5f: {  	_ =	shalt  }
0x60: {  	_ =	shalt  }
0x61: {  	_ =	shalt  }
0x62: {  	_ =	shalt  }
0x63: {  	_ =	shalt  }
0x64: {  	_ =	shalt  }
0x65: {  	_ =	shalt  }
0x66: {  	_ =	shalt  }
0x67: {  	_ =	shalt  }
0x68: {  	_ =	shalt  }
0x69: {  	_ =	shalt  }
0x6a: {  	_ =	shalt  }
0x6b: {  	_ =	shalt  }
0x6c: {  	_ =	shalt  }
0x6d: {  	_ =	shalt  }
0x6e: {  	_ =	shalt  }
0x6f: {  	_ =	shalt  }
0x70: {  	_ =	shalt  }
0x71: {  	_ =	shalt  }
0x72: {  	_ =	shalt  }
0x73: {  	_ =	shalt  }
0x74: {  	_ =	shalt  }
0x75: {  	_ =	shalt  }
0x76: {  	_ =	shalt  }
0x77: {  	_ =	shalt  }
0x78: {  	_ =	shalt  }
0x79: {  	_ =	shalt  }
0x7a: {  	_ =	shalt  }
0x7b: {  	_ =	shalt  }
0x7c: {  	_ =	shalt  }
0x7d: {  	_ =	shalt  }
0x7e: {  	_ =	shalt  }
0x7f: {  	_ =	shalt  }
0x80: {  	_ =	shalt  }
0x81: {  	_ =	shalt  }
0x82: {  	_ =	shalt  }
0x83: {  	_ =	shalt  }
0x84: {  	_ =	shalt  }
0x85: {  	_ =	shalt  }
0x86: {  	_ =	shalt  }
0x87: {  	_ =	shalt  }
.Lfunc_end0:
.L_simem_size_0:
called_computation_lowered:
.L_overlay_start_0:
0x88: {  	s2 =	sld [smem:$0x3FD9]  }
0x89: {  	s3 =	sld [smem:$0x3FFE];
	_ =	sdelay $0x1  }
0x8a: {  	s1 =	srdreg.scid  }
0x8b: {  	s0 =	sand.u32 $0x1, s1  }
0x8c: {  	s17 =	sshll.u32 s0, $0xA;
	s2 =	sadd.s32 s3, s2  }
0x8d: {  	s2 =	sadd.s32 s2, s17  }
0x8e: {  	[smem:$0x3FC4] =	sst s2  }
0x8f: {  	_ = 	snop  }
0x90: {  	s2 =	sld [smem:$0x3FD0];
	(tm) =	ssettm $0x1  }
0x91: {  	s18 =	sld [smem:$0x3FFB];
	_ =	sdelay $0x3  }
0x92: {  	_ =	strace s18  }
0x93: {  	s3 =	sld [smem:$0x3FFC];
	_ =	sdelay $0x3  }
0x94: {  	_ =	strace s3  }
0x95: {  	s3 =	sld [smem:$0x3FFD];
	_ =	sdelay $0x3  }
0x96: {  	_ =	strace s3  }
0x97: {  	_ =	strace $0x8FFFFFFF  }
0x98: {  	s19 =	sld [smem:$0x3FDB];
	_ =	sdelay $0x1  }
0x99: {  	s4 =	simm.s32 $_scs_section_size  }
0x9a: {  	s5 =	simm.s32 $_size__tile_overlayer_lowered;
	s6 =	simm.s32 $_tile_overlayer_lowered  }
0x9b: {  	s22 =	simm.s32 $0x1BFF;
	s21 =	sshll.u32 s6, $0x1;
	s3 =	sadd.s32 s4, s19  }
0x9c: {  	s7 =	simm.s32 $0x0;
	s20 =	sshll.u32 s5, $0x1;
	s5 =	sadd.s32 s21, s3  }
0x9d: {  	[timem:s7], [sflag:s22] =	dma.local [hbm:s5], s20  }
0x9e: {  	_ =	swait.ge [sflag:s22], s20  }
0x9f: {  	s4 =	ssub.s32 $0x0, s20;
	[sflag:s22] =	ssyncset.done $0x0  }
0xa0: {  	[sflag:s22] =	ssyncadd.s32 s4;
	_ =	sdelay $0x1  }
0xa1: {  	s23 =	simm.s32 $0x1B8B  }
0xa2: {  	_ =	swait.ge [sflag:s23], $0x1  }
0xa3: {  	[sflag:s23] =	ssyncset.done $0x0  }
0xa4: {  	s25 =	simm.s32 $0x1B8E;
	s24 =	sld [smem:$0x3FFE];
	[sflag:s23] =	ssyncadd.s32 $0xFFFFFFFF  }
0xa5: {  	s26 =	simm.s32 $execute0_lowered;
	[smem:$0x3FD2] =	sst s25  }
0xa6: {  	s5 =	sshll.u32 s26, $0x1;
	_ =	strace $0x80000046;
	[dreg:$0x1] =	wrdreg $0xFFFFFFFF  }
0xa7: {  	s28 =	simm.s32 $_size_execute0_lowered;
	s3 =	sadd.s32 s3, s5;
	[dreg:$0x0] =	wrdreg $0x0  }
0xa8: {  	s5 =	sshll.u32 s28, $0x1;
	[dreg:$0x2] =	wrdreg s3  }
0xa9: {  	[dreg:$0x3] =	wrdreg s5  }
0xaa: {  	[dreg:$0x4] =	wrdreg $0xC0  }
0xab: {  	_ =	task [dreg:s7], $0x5FFFF  }
0xac: {  	[dreg:$0x1] =	wrdreg $0xFFFFFFFF  }
0xad: {  	[dreg:$0x0] =	wrdreg $0x60  }
0xae: {  	[dreg:$0x2] =	wrdreg s2  }
0xaf: {  	[dreg:$0x3] =	wrdreg s24  }
0xb0: {  	[dreg:$0x4] =	wrdreg $0x0  }
0xb1: {  	[dreg:$0x5] =	wrdreg $0x140000  }
0xb2: {  	[dreg:$0x6] =	wrdreg $0x9  }
0xb3: {  	_ =	task.clear_ibuf [dreg:s7], $0x7FFFF;
	_ =	strace $0x90000046  }
0xb4: {  	s29 =	simm.s32 $0x9;
	_ =	strace $0x80000048  }
0xb5: {  	_ =	swait.ge [sflag:s29], $0x1  }
0xb6: {  	[sflag:s29] =	ssyncadd.s32 $0xFFFFFFFF  }
0xb7: {  	_ =	strace $0x90000048  }
0xb8: {  	_ =	sfence  }
0xb9: {  	s30 =	sld [smem:$0x0];
	_ =	sdelay $0x2  }
0xba: {  	s31 =	sshll.u32 s1, $0xD;
	s1 =	sshrl.u32 s1, $0x2  }
0xbb: {  	s3 =	sand.u32 $0x4000, s31;
	s1 =	sadd.s32 s1, s30  }
0xbc: {  	s0 =	sor.u32 s3, s0;
	s1 =	sshll.u32 s1, $0x11  }
0xbd: {  	s0 =	sor.u32 s1, s0  }
0xbe: {  	s0 =	sadd.s32 $0x8F2B, s0  }
0xbf: {  	[sflag:s0] =	ssyncadd.remote.s32 $0x1  }
0xc0: {  	_ =	sfence.sel $0xFFFF  }
0xc1: {  	[dreg:$0x0] =	wrdreg $0xFFFFFFFF;
	(pc) =	sbr.abs _section_cstart, $3  }
0xc2: {  	[dreg:$0x1] =	wrdreg $0xFFFFFFFF  }
0xc3: {  	_ =	task.clear_ibuf [dreg:s7], $0x2FFFF;
	_ =	strace $0x9FFFFFFF  }
0xc4: {  	(tm) =	ssettm $0x7FFFFFFF  }
0xc5: {  	_ =	shalt  }
tec
execute0_lowered:
.L_overlay_start_1:
0x0: {  	(tag) =	ssettag $0x1  }
0x1: {  	s1 =	rddreg [dreg:$0x0]  }
0x2: {  	s0 =	srdreg.scid;
	s2 =	rddreg [dreg:$0x1]  }
0x3: {  	s19 =	stileid.u32;
	s3 =	rddreg [dreg:$0x2]  }
0x4: {  	s4 =	rddreg [dreg:$0x3];
	s5 =	simm.s32 $0x0;
	s6 =	smul.u32 $0x5000, s19  }
0x5: {  	s28 =	simm.s32 $0x1EA80;
	s29 =	simm.s32 $0x16A80;
	s12 =	smul.u32 $0x280, s19  }
0x6: {  	s30 =	simm.s32 $0x1AA80;
	s0 =	sand.u32 $0x1, s0;
	s10 =	smul.u32 $0x50000, s19  }
0x7: {  	s31 =	simm.s32 $0x1EC80;
	[smem:$0x7FF] =	sst s5;
	s7 =	smul.u32 $0x2800, s0  }
0x8: {  	s17 =	smul.u32 $0x28000, s0;
	_ =	strace $0x80000047;
	s18 =	ssub.s32 $0x2, s0  }
0x9: {  	s8 =	sshll.u32 s0, $0x4;
	p0 =	sne.s32 s0, $0x0;
	p1 =	seq.s32 s0, $0x0  }
0xa: {  	s9 =	sshrl.u32 s18, $0x1;
	s15 =	sadd.s32 $0x80, s12;
	s20 =	sshrl.u32 s10, $0x2  }
0xb: {  	s22 =	sadd.s32 $0x100, s12;
	s16 =	sadd.s32 $0x180, s12;
	s6 =	sadd.s32 s7, s6  }
0xc: {  	s13 =	sadd.s32 s17, s2;
	s14 =	ssub.s32 s18, s9;
	s21 =	sshll.u32 s15, $0x7  }
0xd: {  	s7 =	sadd.s32 s20, s3;
	s23 =	sshll.u32 s22, $0x7;
	s17 =	sadd.s32 $0x200, s12  }
0xe: {  	s24 =	sshll.u32 s16, $0x7;
	s12 =	sadd.s32 s12, s4;
	s18 =	sadd.s32 s15, s4  }
0xf: {  	s25 =	sadd.s32 s22, s4;
	s26 =	sadd.s32 s16, s4;
	s15 =	sshll.u32 s15, $0x4  }
0x10: {  	s16 =	sshll.u32 s16, $0x4;
	s6 =	sshrl.u32 s6, $0x3;
	[dreg:$0x6] =	wrdreg s18  }
0x11: {  	s9 =	sadd.s32 s23, s3;
	s11 =	sshll.u32 s17, $0x7;
	[dreg:$0x7] =	wrdreg s25  }
0x12: {  	s10 =	sadd.s32 s24, s3;
	[dreg:$0x8] =	wrdreg s26;
	s20 =	sadd.s32 s17, s4  }
0x13: {  	s13 =	sadd.s32 $0xBE00, s13;
	s17 =	sshll.u32 s17, $0x4;
	s14 =	smax.u32 s14, $0x1  }
0x14: {  	s6 =	sadd.s32 s6, s2;
	s2 =	sadd.s32 s8, s2;
	s8 =	sadd.s32 s21, s3  }
0x15: {  	s11 =	sadd.s32 s11, s3;
	[dreg:$0x9] =	wrdreg s20;
	s21 =	smul.u32 $0x2800, s19  }
0x16: {  	[dreg:$0xa] =	wrdreg s14;
	s24 =	sadd.s32 s15, s13;
	s25 =	sadd.s32 s16, s13  }
0x17: {  	s26 =	sadd.s32 s17, s13;
	s14 =	simm.s32 $0x0;
	[dreg:$0xc] =	wrdreg s24  }
0x18: {  	s6 =	sadd.s32 $0x1400, s6;
	s2 =	sadd.s32 $0xB400, s2;
	[dreg:$0xe] =	wrdreg s25  }
0x19: {  	[dreg:$0xf] =	wrdreg s26;
	s25 =	simm.s32 $0x3;
	s26 =	simm.s32 $0x80  }
.Ltmp0:
0x1a: {  	[dreg:$0x5] =	wrdreg s6;
	s23 =	sadd.s32 s21, s13;
	(pc) =	sbr.rel .LBB2_1-.Ltmp0, $4  }
0x1b: {  	s6 =	sshll.u32 s22, $0x4;
	s22 =	smul.u32 $0xA0, s19;
	[dreg:$0xb] =	wrdreg s23  }
0x1c: {  	s6 =	sadd.s32 s6, s13;
	s23 =	simm.s32 $0x1;
	s13 =	simm.s32 $0x1EC00  }
0x1d: {  	[dreg:$0xd] =	wrdreg s6;
	s0 =	sadd.s32 s22, s2;
	s2 =	simm.s32 $0x1EB80  }
0x1e: {  	v0 =	vimm.f32 $0.0e+00;
	v1 =	vimm.f32 $1.000000000e+00;
	s6 =	simm.s32 $0x2;
	[dreg:$0x10] =	wrdreg s0;
	s0 =	simm.s32 $0x1EB00  }
.LBB2_6:
0x1f: {  	_ =	swait.ge [sflag:s23], $0x4000  }
0x20: {  	[sflag:s23] =	ssyncset.done $0x0  }
0x21: {  	[sflag:s23] =	ssyncadd.s32 $0xFFFFC000  }
0x22: {  	[spmem:s3] =	stream.indirect.scatter.add.f32 [tilespmem:s29], [sflag:$0x3], $0x80, s0, s26, $0xb8;
	[tilespmem:$0x1ED00] =	vst v63  }
0x23: {  	_ =	swait.ge [sflag:s25], $0x4000  }
0x24: {  	[sflag:s25] =	ssyncset.done $0x0  }
0x25: {  	[sflag:s25] =	ssyncadd.s32 $0xFFFFC000  }
0x26: {  	[spmem:s4] =	stream.indirect.scatter.add.f32 @!p0 [tilespmem:s20], [sflag:$0x3], $0x1, s18, s17, $0xb8;
	[tilespmem:$0x1ED00] =	vst v63  }
0x27: {  	_ =	swait.ge @!p0 [sflag:s19], $0x80  }
0x28: {  	[sflag:s19] =	ssyncset.done @!p0 $0x0  }
0x29: {  	s15 =	stileid.u32;
	[sflag:s19] =	ssyncadd.s32 @!p0 $0xFFFFFF80  }
0x2a: {  	s15 =	sshll.u32 s15, $0x6;
	[bflag:$0x0] =	sbarrier.arrive $0xFFFF  }
0x2b: {  	s16 =	sshrl.u32 s7, $0x3;
	s15 =	sor.u32 $0x1C03, s15;
	s24 =	rddreg [dreg:$0xb]  }
0x2c: {  	[hbm:s24], [sflag:s15] =	dma.local [spmem:s16], $0x800  }
0x2d: {  	_ =	swait.ge [sflag:s25], $0x800  }
0x2e: {  	[sflag:s25] =	ssyncset.done $0x0  }
0x2f: {  	s18 =	sshrl.u32 s8, $0x3;
	s19 =	rddreg [dreg:$0xc];
	[sflag:s25] =	ssyncadd.s32 $0xFFFFF800  }
0x30: {  	[hbm:s19], [sflag:s15] =	dma.local [spmem:s18], $0x800  }
0x31: {  	_ =	swait.ge [sflag:s25], $0x800  }
0x32: {  	[sflag:s25] =	ssyncset.done $0x0  }
0x33: {  	s20 =	sshrl.u32 s9, $0x3;
	s21 =	rddreg [dreg:$0xd];
	[sflag:s25] =	ssyncadd.s32 $0xFFFFF800  }
0x34: {  	[hbm:s21], [sflag:s15] =	dma.local [spmem:s20], $0x800  }
0x35: {  	_ =	swait.ge [sflag:s25], $0x800  }
0x36: {  	[sflag:s25] =	ssyncset.done $0x0  }
0x37: {  	s22 =	sshrl.u32 s10, $0x3;
	s24 =	rddreg [dreg:$0xe];
	[sflag:s25] =	ssyncadd.s32 $0xFFFFF800  }
0x38: {  	[hbm:s24], [sflag:s15] =	dma.local [spmem:s22], $0x800  }
0x39: {  	_ =	swait.ge [sflag:s25], $0x800  }
0x3a: {  	[sflag:s25] =	ssyncset.done $0x0  }
0x3b: {  	s17 =	sshrl.u32 s11, $0x3;
	s18 =	rddreg [dreg:$0xf];
	[sflag:s25] =	ssyncadd.s32 $0xFFFFF800  }
0x3c: {  	[hbm:s18], [sflag:s15] =	dma.local [spmem:s17], $0x800  }
0x3d: {  	_ =	swait.ge [sflag:s25], $0x800  }
0x3e: {  	s19 =	sshrl.u32 s12, $0x3;
	s21 =	simm.s32 $0x20;
	[sflag:s25] =	ssyncset.done $0x0  }
0x3f: {  	s22 =	simm.s32 $0x10;
	s20 =	rddreg [dreg:$0x10];
	[sflag:s25] =	ssyncadd.s32 $0xFFFFF800  }
0x40: {  	[hbm:s20@s21], [sflag:s15] =	dma.strided [spmem:s19@s22], $0x50, s23, $0x10   }
0x41: {  	_ =	swait.ge [sflag:s25], $0x50  }
0x42: {  	s14 =	sadd.s32 $0x1, s14;
	s24 =	rddreg [dreg:$0xa]  }
0x43: {  	p2 =	sne.s32 s14, s24  }
.Ltmp1:
0x44: {  	_ = 	snop;
	(pc) =	sbr.rel @!p2 .LBB2_7-.Ltmp1, $3  }
0x45: {  	_ =	sdelay $0x1  }
0x46: {  	[sflag:s25] =	ssyncset.done $0x0  }
0x47: {  	[sflag:s25] =	ssyncadd.s32 $0xFFFFFFB0  }
.LBB2_1:
0x48: {  	s15 =	rddreg [dreg:$0x5];
	s16 =	simm.s32 $0x14280  }
0x49: {  	[tilespmem:s16], [sflag:$0x3] =	stream.linear.gather [hbm4b:s15+s5], $0x2780, $0x38;
	[tilespmem:$0x1ED00] =	vst v63  }
0x4a: {  	_ =	swait.ge [sflag:s25], $0x2780  }
0x4b: {  	[sflag:s25] =	ssyncset.done $0x0  }
0x4c: {  	[sflag:s25] =	ssyncadd.s32 $0xFFFFD880  }
0x4d: {  	v2 =	vld [tilespmem:$0x14280];
	_ =	sdelay $0x1  }
0x4e: {  	v3 =	vld [tilespmem:$0x14290];
	_ =	sdelay $0x1  }
0x4f: {  	v4 =	vld [tilespmem:$0x142A0]  }
0x50: {  	v5 =	vand.u32 $0x7FFF, v2  }
0x51: {  	v61 =	vld [tilespmem:$0x142B0];
	v2 =	vshrl.u32 v2, $0xF;
	[tilespmem:$0x1EA80] =	vst v5  }
0x52: {  	[tilespmem:$0x1EB00] =	vst v2;
	v2 =	vand.u32 $0x7FFF, v3  }
0x53: {  	[tilespmem:$0x1EA90] =	vst v2;
	v2 =	vshrl.u32 v3, $0xF;
	v3 =	vld [tilespmem:$0x142C0]  }
0x54: {  	[tilespmem:$0x1EB10] =	vst v2;
	v2 =	vand.u32 $0x7FFF, v4  }
0x55: {  	v62 =	vld [tilespmem:$0x142D0];
	[tilespmem:$0x1EAA0] =	vst v2;
	v2 =	vshrl.u32 v4, $0xF  }
0x56: {  	[tilespmem:$0x1EB20] =	vst v2;
	v2 =	vand.u32 $0x7FFF, v61  }
0x57: {  	v63 =	vld [tilespmem:$0x142E0];
	[tilespmem:$0x1EAB0] =	vst v2;
	v2 =	vshrl.u32 v61, $0xF  }
0x58: {  	[tilespmem:$0x1EB30] =	vst v2;
	v2 =	vand.u32 $0x7FFF, v3  }
0x59: {  	[tilespmem:$0x1EAC0] =	vst v2;
	v2 =	vshrl.u32 v3, $0xF;
	v3 =	vld [tilespmem:$0x142F0]  }
0x5a: {  	[tilespmem:$0x1EB40] =	vst v2;
	v2 =	vand.u32 $0x7FFF, v62  }
0x5b: {  	[tilespmem:$0x1EAD0] =	vst v2;
	v2 =	vshrl.u32 v62, $0xF  }
0x5c: {  	[tilespmem:$0x1EB50] =	vst v2;
	v2 =	vand.u32 $0x7FFF, v63  }
0x5d: {  	[tilespmem:$0x1EAE0] =	vst v2;
	v2 =	vshrl.u32 v63, $0xF  }
0x5e: {  	s22 =	sand.u32 $0xFE00, s5;
	[tilespmem:$0x1EB60] =	vst v2;
	v2 =	vand.u32 $0x7FFF, v3  }
0x5f: {  	s24 =	sand.u32 $0x70, s5;
	s17 =	sshrl.u32 s22, $0x2;
	[tilespmem:$0x1EAF0] =	vst v2;
	v2 =	vshrl.u32 v3, $0xF  }
0x60: {  	s15 =	simm.s32 $0x40;
	s16 =	simm.s32 $0x0;
	s17 =	sor.u32 s24, s17;
	[tilespmem:$0x1EB70] =	vst v2  }
0x61: {  	[tilespmem:s29], [sflag:$0x1] =	stream.indirect.gather [hbm4b:s1+s26], $0x80, s28, s26, $0xb8;
	[tilespmem:$0x1ED00] =	vst v63  }
.LBB2_2:
0x62: {  	p2 =	sne.s32 s15, $0xFFC0  }
0x63: {  	[tilespmem:s17+$0x1AA80] =	vst v0;
	s16 =	sadd.s32 $0x10, s16;
	s17 =	smov.u32 s15;
	s15 =	sadd.s32 $0x40, s15  }
.Ltmp2:
0x64: {  	(pc) =	sbr.rel @p2 .LBB2_2-.Ltmp2, $4  }
0x65: {  	_ = 	snop  }
0x66: {  	s17 =	sand.u32 $0xFE00, s17  }
0x67: {  	s18 =	sand.u32 $0x70, s16;
	s17 =	sshrl.u32 s17, $0x2  }
0x68: {  	s17 =	sor.u32 s18, s17  }
0x69: {  	[tilespmem:s17+$0x1AA80] =	vst v0  }
0x6a: {  	[tilespmem:$0x1EC80] =	vst v0  }
0x6b: {  	[tilespmem:$0x1EC90] =	vst v0  }
0x6c: {  	[tilespmem:$0x1ECA0] =	vst v0  }
0x6d: {  	[tilespmem:$0x1ECB0] =	vst v0  }
0x6e: {  	[tilespmem:$0x1ECC0] =	vst v0  }
0x6f: {  	[tilespmem:$0x1ECD0] =	vst v0  }
0x70: {  	[tilespmem:$0x1ECE0] =	vst v0  }
0x71: {  	[tilespmem:$0x1ECF0] =	vst v0  }
0x72: {  	[spmem:s7] =	stream.linear.scatter [tilespmem:s30], [sflag:$0x3], $0x4000, $0x38;
	[tilespmem:$0x1ED00] =	vst v63  }
0x73: {  	_ =	swait.ge [sflag:s25], $0x4000  }
0x74: {  	[sflag:s25] =	ssyncset.done $0x0  }
0x75: {  	[sflag:s25] =	ssyncadd.s32 $0xFFFFC000  }
0x76: {  	[spmem:s8] =	stream.linear.scatter [tilespmem:s30], [sflag:$0x3], $0x4000, $0x38;
	[tilespmem:$0x1ED00] =	vst v63  }
0x77: {  	_ =	swait.ge [sflag:s25], $0x4000  }
0x78: {  	[sflag:s25] =	ssyncset.done $0x0  }
0x79: {  	[sflag:s25] =	ssyncadd.s32 $0xFFFFC000  }
0x7a: {  	[spmem:s9] =	stream.linear.scatter [tilespmem:s30], [sflag:$0x3], $0x4000, $0x38;
	[tilespmem:$0x1ED00] =	vst v63  }
0x7b: {  	_ =	swait.ge [sflag:s25], $0x4000  }
0x7c: {  	[sflag:s25] =	ssyncset.done $0x0  }
0x7d: {  	[sflag:s25] =	ssyncadd.s32 $0xFFFFC000  }
0x7e: {  	[spmem:s10] =	stream.linear.scatter [tilespmem:s30], [sflag:$0x3], $0x4000, $0x38;
	[tilespmem:$0x1ED00] =	vst v63  }
0x7f: {  	_ =	swait.ge [sflag:s25], $0x4000  }
0x80: {  	[sflag:s25] =	ssyncset.done $0x0  }
0x81: {  	[sflag:s25] =	ssyncadd.s32 $0xFFFFC000  }
0x82: {  	[spmem:s11] =	stream.linear.scatter [tilespmem:s30], [sflag:$0x3], $0x4000, $0x38;
	[tilespmem:$0x1ED00] =	vst v63  }
0x83: {  	_ =	swait.ge [sflag:s25], $0x4000  }
0x84: {  	[sflag:s25] =	ssyncset.done $0x0  }
0x85: {  	[sflag:s25] =	ssyncadd.s32 $0xFFFFC000  }
0x86: {  	[spmem:s12] =	stream.linear.scatter [tilespmem:s31], [sflag:$0x3], $0x80, $0x38;
	[tilespmem:$0x1ED00] =	vst v63  }
0x87: {  	_ =	swait.ge [sflag:s25], $0x80  }
0x88: {  	[sflag:s25] =	ssyncset.done $0x0  }
0x89: {  	s15 =	rddreg [dreg:$0x6];
	[sflag:s25] =	ssyncadd.s32 $0xFFFFFF80  }
0x8a: {  	[spmem:s15] =	stream.linear.scatter [tilespmem:s31], [sflag:$0x3], $0x80, $0x38;
	[tilespmem:$0x1ED00] =	vst v63  }
0x8b: {  	_ =	swait.ge [sflag:s25], $0x80  }
0x8c: {  	[sflag:s25] =	ssyncset.done $0x0  }
0x8d: {  	s21 =	rddreg [dreg:$0x7];
	[sflag:s25] =	ssyncadd.s32 $0xFFFFFF80  }
0x8e: {  	[spmem:s21] =	stream.linear.scatter [tilespmem:s31], [sflag:$0x3], $0x80, $0x38;
	[tilespmem:$0x1ED00] =	vst v63  }
0x8f: {  	_ =	swait.ge [sflag:s25], $0x80  }
0x90: {  	[sflag:s25] =	ssyncset.done $0x0  }
0x91: {  	s22 =	rddreg [dreg:$0x8];
	[sflag:s25] =	ssyncadd.s32 $0xFFFFFF80  }
0x92: {  	[spmem:s22] =	stream.linear.scatter [tilespmem:s31], [sflag:$0x3], $0x80, $0x38;
	[tilespmem:$0x1ED00] =	vst v63  }
0x93: {  	_ =	swait.ge [sflag:s25], $0x80  }
0x94: {  	[sflag:s25] =	ssyncset.done $0x0  }
0x95: {  	s24 =	rddreg [dreg:$0x9];
	[sflag:s25] =	ssyncadd.s32 $0xFFFFFF80  }
0x96: {  	[spmem:s24] =	stream.linear.scatter [tilespmem:s31], [sflag:$0x3], $0x80, $0x38;
	[tilespmem:$0x1ED00] =	vst v63  }
0x97: {  	_ =	swait.ge [sflag:s25], $0x80  }
0x98: {  	[sflag:s25] =	ssyncset.done $0x0  }
0x99: {  	[sflag:s25] =	ssyncadd.s32 $0xFFFFFF80  }
0x9a: {  	v2 =	vld [tilespmem:$0x14300]  }
0x9b: {  	v3 =	vld [tilespmem:$0x14310];
	_ =	sdelay $0x1  }
0x9c: {  	v4 =	vld [tilespmem:$0x14320];
	_ =	sdelay $0x1  }
0x9d: {  	v62 =	vld [tilespmem:$0x14330];
	[tilespmem:$0x1EC80] =	vst v1;
	v5 =	vand.u32 $0x7FFF, v2;
	v2 =	vshrl.u32 v2, $0xF  }
0x9e: {  	[tilespmem:$0x1EC00] =	vst v2;
	v2 =	vand.u32 $0x7FFF, v3  }
0x9f: {  	[tilespmem:$0x1EB90] =	vst v2;
	v2 =	vshrl.u32 v3, $0xF;
	v3 =	vld [tilespmem:$0x14340]  }
0xa0: {  	[tilespmem:$0x1EC10] =	vst v2;
	v2 =	vand.u32 $0x7FFF, v4  }
0xa1: {  	v63 =	vld [tilespmem:$0x14350];
	[tilespmem:$0x1EBA0] =	vst v2;
	v2 =	vshrl.u32 v4, $0xF  }
0xa2: {  	[tilespmem:$0x1EC20] =	vst v2;
	v2 =	vand.u32 $0x7FFF, v62  }
0xa3: {  	[tilespmem:$0x1EBB0] =	vst v2;
	v2 =	vshrl.u32 v62, $0xF  }
0xa4: {  	[tilespmem:$0x1EC30] =	vst v2;
	v2 =	vand.u32 $0x7FFF, v3  }
0xa5: {  	[tilespmem:$0x1EBC0] =	vst v2;
	v2 =	vshrl.u32 v3, $0xF  }
0xa6: {  	[tilespmem:$0x1EC40] =	vst v2;
	v2 =	vand.u32 $0x7FFF, v63  }
0xa7: {  	[tilespmem:$0x1EBD0] =	vst v2;
	v2 =	vld [tilespmem:$0x14360]  }
0xa8: {  	[tilespmem:$0x1EC90] =	vst v1  }
0xa9: {  	[tilespmem:$0x1ECA0] =	vst v1  }
0xaa: {  	[tilespmem:$0x1ECB0] =	vst v1  }
0xab: {  	[tilespmem:$0x1ECC0] =	vst v1;
	v3 =	vshrl.u32 v63, $0xF  }
0xac: {  	[tilespmem:$0x1EC50] =	vst v3;
	v3 =	vand.u32 $0x7FFF, v2  }
0xad: {  	[tilespmem:$0x1EBE0] =	vst v3;
	v3 =	vld [tilespmem:$0x14370]  }
0xae: {  	[tilespmem:$0x1ECD0] =	vst v1  }
0xaf: {  	[tilespmem:$0x1ECE0] =	vst v1  }
0xb0: {  	[tilespmem:$0x1ECF0] =	vst v1  }
0xb1: {  	[tilespmem:$0x1EB80] =	vst v5;
	v2 =	vshrl.u32 v2, $0xF  }
0xb2: {  	[tilespmem:$0x1EC60] =	vst v2;
	v2 =	vand.u32 $0x7FFF, v3  }
0xb3: {  	[tilespmem:$0x1EBF0] =	vst v2;
	v2 =	vshrl.u32 v3, $0xF  }
0xb4: {  	[tilespmem:$0x1EC70] =	vst v2  }
0xb5: {  	s15 =	simm.s32 $0x7C0;
	[bflag:$0x0] =	sbarrier.arrive $0xFFFF  }
.LBB2_4:
0xb6: {  	[tilespmem:s30], [sflag:$0x2] =	stream.indirect.gather [hbm4b:s1+s26], $0x80, s2, s26, $0xb8;
	[tilespmem:$0x1ED00] =	vst v63  }
0xb7: {  	_ =	swait.ge [sflag:s23], $0x4000  }
0xb8: {  	[sflag:s23] =	ssyncset.done $0x0  }
0xb9: {  	s17 =	simm.s32 @!p0 $0x80;
	[sflag:s23] =	ssyncadd.s32 $0xFFFFC000  }
0xba: {  	[spmem:s3] =	stream.indirect.scatter.add.f32 [tilespmem:s29], [sflag:$0x1], $0x80, s0, s26, $0xb8;
	[tilespmem:$0x1ED00] =	vst v63  }
0xbb: {  	s18 =	simm.s32 @!p0 $0x1EB00;
	s20 =	simm.s32 @!p0 $0x1EC80;
	s19 =	simm.s32 @!p0 $0x3  }
0xbc: {  	[spmem:s4] =	stream.indirect.scatter.add.f32 @!p0 [tilespmem:s20], [sflag:$0x3], $0x1, s18, s17, $0xb8;
	[tilespmem:$0x1ED00] =	vst v63  }
0xbd: {  	_ =	swait.ge @!p0 [sflag:s19], $0x80  }
0xbe: {  	[sflag:s19] =	ssyncset.done @!p0 $0x0  }
0xbf: {  	[sflag:s19] =	ssyncadd.s32 @!p0 $0xFFFFFF80  }
0xc0: {  	_ =	swait.ge [sflag:s23], $0x4000  }
0xc1: {  	[sflag:s23] =	ssyncset.done $0x0  }
0xc2: {  	s16 =	sshra.s32 s15, $0x2;
	[sflag:s23] =	ssyncadd.s32 $0xFFFFC000  }
0xc3: {  	v2 =	vld [tilespmem:s16+$0x14190];
	_ =	sdelay $0x4  }
0xc4: {  	v3 =	vand.u32 $0x7FFF, v2  }
0xc5: {  	v2 =	vshrl.u32 v2, $0xF;
	[tilespmem:$0x1EA80] =	vst v3  }
0xc6: {  	[tilespmem:$0x1EB00] =	vst v2  }
0xc7: {  	v2 =	vld [tilespmem:s16+$0x141A0];
	_ =	sdelay $0x4  }
0xc8: {  	v3 =	vand.u32 $0x7FFF, v2  }
0xc9: {  	v2 =	vshrl.u32 v2, $0xF;
	[tilespmem:$0x1EA90] =	vst v3  }
0xca: {  	[tilespmem:$0x1EB10] =	vst v2  }
0xcb: {  	v2 =	vld [tilespmem:s16+$0x141B0];
	_ =	sdelay $0x4  }
0xcc: {  	v3 =	vand.u32 $0x7FFF, v2  }
0xcd: {  	v2 =	vshrl.u32 v2, $0xF;
	[tilespmem:$0x1EAA0] =	vst v3  }
0xce: {  	[tilespmem:$0x1EB20] =	vst v2  }
0xcf: {  	v2 =	vld [tilespmem:s16+$0x141C0];
	_ =	sdelay $0x4  }
0xd0: {  	v3 =	vand.u32 $0x7FFF, v2  }
0xd1: {  	v2 =	vshrl.u32 v2, $0xF;
	[tilespmem:$0x1EAB0] =	vst v3  }
0xd2: {  	[tilespmem:$0x1EB30] =	vst v2  }
0xd3: {  	v2 =	vld [tilespmem:s16+$0x141D0];
	_ =	sdelay $0x4  }
0xd4: {  	v3 =	vand.u32 $0x7FFF, v2  }
0xd5: {  	v2 =	vshrl.u32 v2, $0xF;
	[tilespmem:$0x1EAC0] =	vst v3  }
0xd6: {  	[tilespmem:$0x1EB40] =	vst v2  }
0xd7: {  	v2 =	vld [tilespmem:s16+$0x141E0];
	_ =	sdelay $0x4  }
0xd8: {  	v3 =	vand.u32 $0x7FFF, v2  }
0xd9: {  	v2 =	vshrl.u32 v2, $0xF;
	[tilespmem:$0x1EAD0] =	vst v3  }
0xda: {  	[tilespmem:$0x1EB50] =	vst v2  }
0xdb: {  	v2 =	vld [tilespmem:s16+$0x141F0];
	_ =	sdelay $0x4  }
0xdc: {  	v3 =	vand.u32 $0x7FFF, v2  }
0xdd: {  	v2 =	vshrl.u32 v2, $0xF;
	[tilespmem:$0x1EAE0] =	vst v3  }
0xde: {  	[tilespmem:$0x1EB60] =	vst v2  }
0xdf: {  	v2 =	vld [tilespmem:s16+$0x14200];
	_ =	sdelay $0x4  }
0xe0: {  	v3 =	vand.u32 $0x7FFF, v2  }
0xe1: {  	v2 =	vshrl.u32 v2, $0xF;
	[tilespmem:$0x1EAF0] =	vst v3  }
0xe2: {  	[tilespmem:$0x1EB70] =	vst v2  }
0xe3: {  	[tilespmem:s29], [sflag:$0x1] =	stream.indirect.gather [hbm4b:s1+s26], $0x80, s28, s26, $0xb8;
	[tilespmem:$0x1ED00] =	vst v63  }
0xe4: {  	_ =	swait.ge [sflag:s6], $0x4000  }
0xe5: {  	[sflag:s6] =	ssyncset.done $0x0  }
0xe6: {  	[sflag:s6] =	ssyncadd.s32 $0xFFFFC000  }
0xe7: {  	[spmem:s3] =	stream.indirect.scatter.add.f32 [tilespmem:s30], [sflag:$0x2], $0x80, s13, s26, $0xb8;
	[tilespmem:$0x1ED00] =	vst v63  }
0xe8: {  	s21 =	simm.s32 @!p1 $0x80;
	s22 =	simm.s32 @!p1 $0x1EC00;
	s24 =	simm.s32 @!p1 $0x1EC80  }
0xe9: {  	[spmem:s4] =	stream.indirect.scatter.add.f32 @!p1 [tilespmem:s24], [sflag:$0x3], $0x1, s22, s21, $0xb8;
	[tilespmem:$0x1ED00] =	vst v63  }
0xea: {  	s21 =	simm.s32 @!p1 $0x3  }
0xeb: {  	p2 =	seq.s32 s15, $0x9FC0;
	_ =	swait.ge @!p1 [sflag:s21], $0x80  }
.Ltmp3:
0xec: {  	[sflag:s21] =	ssyncset.done @!p1 $0x0;
	(pc) =	sbr.rel @p2 .LBB2_6-.Ltmp3, $4  }
0xed: {  	[sflag:s21] =	ssyncadd.s32 @!p1 $0xFFFFFF80  }
0xee: {  	_ =	swait.ge [sflag:s6], $0x4000  }
0xef: {  	[sflag:s6] =	ssyncset.done $0x0  }
0xf0: {  	[sflag:s6] =	ssyncadd.s32 $0xFFFFC000  }
0xf1: {  	v2 =	vld [tilespmem:s16+$0x14210];
	_ =	sdelay $0x4  }
0xf2: {  	v3 =	vand.u32 $0x7FFF, v2  }
0xf3: {  	v2 =	vshrl.u32 v2, $0xF;
	[tilespmem:$0x1EB80] =	vst v3  }
0xf4: {  	[tilespmem:$0x1EC00] =	vst v2  }
0xf5: {  	v2 =	vld [tilespmem:s16+$0x14220];
	_ =	sdelay $0x4  }
0xf6: {  	v3 =	vand.u32 $0x7FFF, v2  }
0xf7: {  	v2 =	vshrl.u32 v2, $0xF;
	[tilespmem:$0x1EB90] =	vst v3  }
0xf8: {  	[tilespmem:$0x1EC10] =	vst v2  }
0xf9: {  	v2 =	vld [tilespmem:s16+$0x14230];
	_ =	sdelay $0x4  }
0xfa: {  	v3 =	vand.u32 $0x7FFF, v2  }
0xfb: {  	v2 =	vshrl.u32 v2, $0xF;
	[tilespmem:$0x1EBA0] =	vst v3  }
0xfc: {  	[tilespmem:$0x1EC20] =	vst v2  }
0xfd: {  	v2 =	vld [tilespmem:s16+$0x14240];
	_ =	sdelay $0x4  }
0xfe: {  	v3 =	vand.u32 $0x7FFF, v2  }
0xff: {  	v2 =	vshrl.u32 v2, $0xF;
	[tilespmem:$0x1EBB0] =	vst v3  }
0x100: {  	[tilespmem:$0x1EC30] =	vst v2  }
0x101: {  	v2 =	vld [tilespmem:s16+$0x14250];
	_ =	sdelay $0x4  }
0x102: {  	v3 =	vand.u32 $0x7FFF, v2  }
0x103: {  	v2 =	vshrl.u32 v2, $0xF;
	[tilespmem:$0x1EBC0] =	vst v3  }
0x104: {  	[tilespmem:$0x1EC40] =	vst v2  }
0x105: {  	v2 =	vld [tilespmem:s16+$0x14260];
	_ =	sdelay $0x4  }
0x106: {  	v3 =	vand.u32 $0x7FFF, v2  }
0x107: {  	v2 =	vshrl.u32 v2, $0xF;
	[tilespmem:$0x1EBD0] =	vst v3  }
0x108: {  	[tilespmem:$0x1EC50] =	vst v2  }
0x109: {  	v2 =	vld [tilespmem:s16+$0x14270];
	_ =	sdelay $0x4  }
0x10a: {  	v3 =	vand.u32 $0x7FFF, v2  }
0x10b: {  	v2 =	vshrl.u32 v2, $0xF;
	[tilespmem:$0x1EBE0] =	vst v3  }
0x10c: {  	[tilespmem:$0x1EC60] =	vst v2  }
0x10d: {  	v2 =	vld [tilespmem:s16+$0x14280];
	_ =	sdelay $0x2  }
.Ltmp4:
0x10e: {  	_ = 	snop;
	(pc) =	sbr.rel .LBB2_4-.Ltmp4, $4  }
0x10f: {  	_ = 	snop  }
0x110: {  	v3 =	vand.u32 $0x7FFF, v2  }
0x111: {  	v2 =	vshrl.u32 v2, $0xF;
	[tilespmem:$0x1EBF0] =	vst v3  }
0x112: {  	s15 =	sadd.s32 $0x400, s15;
	[tilespmem:$0x1EC70] =	vst v2  }
.LBB2_7:
0x113: {  	_ =	sfence.sel $0x180000  }
0x114: {  	[bflag:$0x0] =	sbarrier.arrive $0xFFFF  }
0x115: {  	_ =	strace $0x90000047  }
0x116: {  	s0 =	stileid.u32;
	[bflag:$0x2] =	sbarrier.arrive $0xFFFF  }
0x117: {  	p0 =	sne.s32 s0, $0x0;
	s0 =	rddreg [dreg:$0x4]  }
0x118: {  	s0 =	sadd.s32 @!p0 $0x100000, s0  }
0x119: {  	[sflag:s0] =	ssyncadd.tile.s32 @!p0 $0x1;
	_ =	shalt  }
.Lfunc_end2:
_tile_overlayer_lowered:
.L_overlay_start_2:
0x11a: {  	(tag) =	ssettag $0x2  }
0x11b: {  	s0 =	rddreg [dreg:$0x0];
	s2 =	stileid.u32  }
0x11c: {  	s1 =	rddreg [dreg:$0x1];
	p0 =	sne.s32 s2, $0x0  }
0x11d: {  	s3 =	rddreg [dreg:$0x2];
	[bflag:$0x3] =	sbarrier.arrive $0xFFFF;
	s2 =	simm.s32 @!p0 $0x1C03  }
0x11e: {  	[timem:s3], [sflag:s2] =	dma.local @!p0 [hbm:s0], s1  }
0x11f: {  	s0 =	simm.s32 @!p0 $0x3  }
0x120: {  	_ =	swait.ge @!p0 [sflag:s0], s1  }
0x121: {  	s1 =	ssub.s32 @!p0 $0x0, s1;
	[sflag:s0] =	ssyncset.done @!p0 $0x0  }
0x122: {  	[sflag:s0] =	ssyncadd.s32 @!p0 s1  }
0x123: {  	[bflag:$0x3] =	sbarrier.arrive $0xFFFF  }
0x124: {  	_ =	shalt  }

</sc_bundles>
